<compile_context>
chip_gen: v7x
topology: tpu7x:2x2x1
jax: 0.10.2.dev20260603
libtpu: 0.0.44.dev20260713+nightly
codegen_flags: <defaults>
</compile_context>

<pallas_src>
import functools

import jax
import jax.numpy as jnp
from jax import lax
from jax.experimental import pallas as pl
from jax.experimental.pallas import tpu as pltpu
from jax.experimental.pallas import tpu_sc as plsc

F32 = jnp.float32
N_NODE = 10000
HID = 128
CHUNK = 128
NWORK = 32
NODE_BLK = 2000
EDGE_BLK = 2560
BF16 = jnp.bfloat16


def _tables_body(pos_s_ref, h_ref, x_ref, pos_a_ref, u_ref,
                 wp_ref, wh_ref, wx_ref, bs_ref, wpa_ref, wua_ref,
                 tadst_ref, tssrc_ref, tsdst_ref, tasrc_ref):
    pos_s = pos_s_ref[...]
    wp = wp_ref[...]
    r = (pos_s[:, 0:1] * wp[0:1, :] + pos_s[:, 1:2] * wp[1:2, :]
         + jnp.dot(h_ref[...], wh_ref[...], preferred_element_type=F32)
         + jnp.dot(x_ref[...], wx_ref[...], preferred_element_type=F32)
         + bs_ref[...])
    tadst_ref[...] = r[:, 0:HID]
    tssrc_ref[...] = r[:, HID:2 * HID]
    tsdst_ref[...] = r[:, 2 * HID:3 * HID]
    pos_a = pos_a_ref[...]
    wpa = wpa_ref[...]
    tasrc_ref[...] = (pos_a[:, 0:1] * wpa[0:1, :] + pos_a[:, 1:2] * wpa[1:2, :]
                      + jnp.dot(u_ref[...], wua_ref[...],
                                preferred_element_type=F32))


def _node_tables(pos_s, h, x, pos_a, u, wp, wh, wx, bs, wpa, wua):
    n = pos_s.shape[0]
    grid = (n // NODE_BLK,)
    row = lambda w: pl.BlockSpec((NODE_BLK, w), lambda i: (i, 0))
    full = lambda a, b: pl.BlockSpec((a, b), lambda i: (0, 0))
    return pl.pallas_call(
        _tables_body,
        grid=grid,
        in_specs=[row(2), row(HID), row(HID), row(2), row(HID),
                  full(2, 3 * HID), full(HID, 3 * HID), full(HID, 3 * HID),
                  full(1, 3 * HID), full(2, HID), full(HID, HID)],
        out_specs=[row(HID), row(HID), row(HID), row(HID)],
        out_shape=[jax.ShapeDtypeStruct((n, HID), F32)] * 4,
    )(pos_s, h, x, pos_a, u, wp, wh, wx, bs, wpa, wua)


def _gather4_body(si_a, di_a, si_s, di_s, ta_s, ta_d, ts_s, ts_d,
                  g0, g1, g2, g3, *rest):
    idxv = rest[0:4]
    rowv = rest[4:8]
    sems = rest[8:12]
    c = lax.axis_index("c")
    s = lax.axis_index("s")
    wid = s * 2 + c
    per = g0.shape[0] // CHUNK // NWORK
    idx_hbm = (si_a, di_a, si_s, di_s)
    tabs = (ta_s, ta_d, ts_s, ts_d)
    outs = (g0, g1, g2, g3)

    def body(i, carry):
        base = (wid + i * NWORK) * CHUNK
        for k in range(4):
            pltpu.sync_copy(idx_hbm[k].at[pl.ds(base, CHUNK)], idxv[k])
        cps = [pltpu.async_copy(tabs[k].at[idxv[k]], rowv[k], sems[k])
               for k in range(4)]
        for cp in cps:
            cp.wait()
        for k in range(4):
            pltpu.sync_copy(rowv[k], outs[k].at[pl.ds(base, CHUNK)])
        return carry

    lax.fori_loop(0, per, body, 0)


def _gather4(si_a, di_a, si_s, di_s, ta_s, ta_d, ts_s, ts_d):
    ea = si_a.shape[0]
    mesh = plsc.VectorSubcoreMesh(core_axis_name="c", subcore_axis_name="s")
    scratch = ([pltpu.VMEM((CHUNK,), jnp.int32)] * 4
               + [pltpu.VMEM((CHUNK, HID), F32)] * 4
               + [pltpu.SemaphoreType.DMA] * 4)
    fn = pl.kernel(
        _gather4_body,
        out_type=[jax.ShapeDtypeStruct((ea, HID), F32)] * 4,
        mesh=mesh,
        scratch_types=scratch,
    )
    return fn(si_a, di_a, si_s, di_s, ta_s, ta_d, ts_s, ts_d)


def _edge_body(gs_ref, gd_ref, dis_ref, wd_ref, w2_ref, b2_ref, w3_ref,
               b3_ref, num_ref, den_ref):
    z1 = jnp.tanh(gs_ref[...] + gd_ref[...] + dis_ref[...] * wd_ref[...])
    h2 = jnp.tanh(jnp.dot(z1, w2_ref[...], preferred_element_type=F32)
                  + b2_ref[...])
    o = jnp.dot(h2, w3_ref[...], preferred_element_type=F32) + b3_ref[...]
    el = jnp.exp(o[:, 0:HID])
    num_ref[...] = el * o[:, HID:2 * HID]
    den_ref[...] = el


def _edge_mlp(gs, gd, dis, wd, w2, b2, w3, b3):
    ea = gs.shape[0]
    grid = (ea // EDGE_BLK,)
    row = lambda w: pl.BlockSpec((EDGE_BLK, w), lambda i: (i, 0))
    full = lambda a, b: pl.BlockSpec((a, b), lambda i: (0, 0))
    return pl.pallas_call(
        _edge_body,
        grid=grid,
        in_specs=[row(HID), row(HID), row(1),
                  full(1, HID), full(HID, HID), full(1, HID),
                  full(HID, 2 * HID), full(1, 2 * HID)],
        out_specs=[row(HID), row(HID)],
        out_shape=[jax.ShapeDtypeStruct((ea, HID), F32)] * 2,
    )(gs, gd, dis, wd, w2, b2, w3, b3)


def _scatter_body(didx, num, den, zeros, out_n, out_d,
                  i0, i1, b0, b1, acc_sh, si0, si1, sl0, sl1, sa0, sa1):
    c = lax.axis_index("c")
    s = lax.axis_index("s")
    n_sub = 16
    per = didx.shape[0] // CHUNK // n_sub

    @pl.when(s == 0)
    def _():
        pltpu.sync_copy(zeros, acc_sh)

    plsc.subcore_barrier()
    idxs = (i0, i1)
    bufs = (b0, b1)
    sis = (si0, si1)
    sls = (sl0, sl1)
    sas = (sa0, sa1)

    def run(src_hbm):
        def pair(jp, carry):
            ld = []
            for b in range(2):
                base_e = (s + (jp * 2 + b) * n_sub) * CHUNK
                ld.append(pltpu.async_copy(didx.at[pl.ds(base_e, CHUNK)],
                                           idxs[b], sis[b]))
                ld.append(pltpu.async_copy(src_hbm.at[pl.ds(base_e, CHUNK)],
                                           bufs[b], sls[b]))
            ad = []
            for b in range(2):
                ld[2 * b].wait()
                ld[2 * b + 1].wait()
                ad.append(pltpu.async_copy(bufs[b], acc_sh.at[idxs[b]],
                                           sas[b], add=True))
            for d in ad:
                d.wait()
            return carry

        lax.fori_loop(0, per // 2, pair, 0)

    pl.when(c == 0)(lambda: run(num))
    pl.when(c == 1)(lambda: run(den))
    plsc.subcore_barrier()

    @pl.when(s < 10)
    def _():
        rows = pl.ds(s * 1000, 1000)
        pl.when(c == 0)(lambda: pltpu.sync_copy(acc_sh.at[rows],
                                                out_n.at[rows]))
        pl.when(c == 1)(lambda: pltpu.sync_copy(acc_sh.at[rows],
                                                out_d.at[rows]))


def _scatter_add(didx, num, den, zeros):
    mesh = plsc.VectorSubcoreMesh(core_axis_name="c", subcore_axis_name="s")
    scratch = [pltpu.VMEM((CHUNK,), jnp.int32),
               pltpu.VMEM((CHUNK,), jnp.int32),
               pltpu.VMEM((CHUNK, HID), F32),
               pltpu.VMEM((CHUNK, HID), F32),
               pltpu.VMEM_SHARED((N_NODE + 8, HID), F32),
               pltpu.SemaphoreType.DMA,
               pltpu.SemaphoreType.DMA,
               pltpu.SemaphoreType.DMA,
               pltpu.SemaphoreType.DMA,
               pltpu.SemaphoreType.DMA,
               pltpu.SemaphoreType.DMA]
    fn = pl.kernel(
        _scatter_body,
        out_type=[jax.ShapeDtypeStruct((N_NODE, HID), F32)] * 2,
        mesh=mesh,
        scratch_types=scratch,
    )
    return fn(didx, num, den, zeros)


def _final_body(pos_ref, h_ref, x_ref, numa_ref, dena_ref, nums_ref, dens_ref,
                wp_ref, wh_ref, wsu_ref, wsx_ref, wx2_ref, b1_ref,
                w2_ref, b2_ref, w3_ref, b3_ref, out_ref):
    dena = dena_ref[...]
    dens = dens_ref[...]
    sum_u = jnp.where(dena != 0, numa_ref[...] / dena, 0.0)
    sum_x = jnp.where(dens != 0, nums_ref[...] / dens, 0.0)
    pos = pos_ref[...]
    wp = wp_ref[...]
    t1 = jnp.tanh(
        pos[:, 0:1] * wp[0:1, :] + pos[:, 1:2] * wp[1:2, :]
        + jnp.dot(h_ref[...], wh_ref[...], preferred_element_type=F32)
        + jnp.dot(sum_u, wsu_ref[...], preferred_element_type=F32)
        + jnp.dot(sum_x, wsx_ref[...], preferred_element_type=F32)
        + jnp.dot(x_ref[...], wx2_ref[...], preferred_element_type=F32)
        + b1_ref[...])
    t2 = jnp.tanh(jnp.dot(t1, w2_ref[...], preferred_element_type=F32)
                  + b2_ref[...])
    out_ref[...] = (jnp.dot(t2, w3_ref[...], preferred_element_type=F32)
                    + b3_ref[...])


def _final_mlp(pos_s, h, x, numa, dena, nums, dens, wp, wh, wsu, wsx, wx2, b1,
               w2, b2, w3, b3):
    n = pos_s.shape[0]
    grid = (n // NODE_BLK,)
    row = lambda w: pl.BlockSpec((NODE_BLK, w), lambda i: (i, 0))
    full = lambda a, b: pl.BlockSpec((a, b), lambda i: (0, 0))
    mlp = 64
    return pl.pallas_call(
        _final_body,
        grid=grid,
        in_specs=[row(2), row(HID), row(HID), row(HID), row(HID), row(HID),
                  row(HID),
                  full(2, mlp), full(HID, mlp), full(HID, mlp),
                  full(HID, mlp), full(HID, mlp), full(1, mlp),
                  full(mlp, mlp), full(1, mlp), full(mlp, HID),
                  full(1, HID)],
        out_specs=row(HID),
        out_shape=jax.ShapeDtypeStruct((n, HID), F32),
    )(pos_s, h, x, numa, dena, nums, dens, wp, wh, wsu, wsx, wx2, b1, w2, b2,
      w3, b3)


def _fuse_heads(pa, pb):
    w1 = jnp.concatenate([pa["W1"], pb["W1"]], axis=1)
    b1 = jnp.concatenate([pa["b1"], pb["b1"]])
    z = jnp.zeros_like(pa["W2"])
    w2 = jnp.concatenate([jnp.concatenate([pa["W2"], z], 1),
                          jnp.concatenate([z, pb["W2"]], 1)], 0)
    b2 = jnp.concatenate([pa["b2"], pb["b2"]])
    z3 = jnp.zeros_like(pa["W3"])
    w3 = jnp.concatenate([jnp.concatenate([pa["W3"], z3], 1),
                          jnp.concatenate([z3, pb["W3"]], 1)], 0)
    b3 = jnp.concatenate([pa["b3"], pb["b3"]])
    return w1, b1, w2, b2, w3, b3


def kernel(h, x, u, pos_state, pos_action, dis_a2s, dis_s2s, edge_a2s,
           edge_s2s, params):
    f = HID
    w1u, b1u, w2u, b2u, w3u, b3u = _fuse_heads(params["u2h_logit"],
                                               params["u2h_u"])
    w1x, b1x, w2x, b2x, w3x, b3x = _fuse_heads(params["x2h_logit"],
                                               params["x2h_x"])
    wp = jnp.concatenate([w1u[2:4], w1x[0:2], w1x[2:4]], axis=1)
    wh = jnp.concatenate([w1u[133:261], w1x[5:133], w1x[261:389]], 1)
    wx = jnp.concatenate([w1u[261:389], w1x[133:261], w1x[389:517]], 1)
    bs = jnp.concatenate([b1u, jnp.zeros_like(b1x), b1x]).reshape(1, 3 * f)
    wpa = w1u[0:2]
    wua = w1u[5:133]
    ta_dst, ts_src, ts_dst, ta_src = _node_tables(
        pos_state, h, x, pos_action, u, wp, wh, wx, bs, wpa, wua)

    ea_raw = edge_a2s.shape[1]
    ea_pad = -(-ea_raw // (NWORK * CHUNK)) * (NWORK * CHUNK)
    pad = ea_pad - ea_raw

    def pad_idx(v, fill):
        return jnp.concatenate(
            [v.astype(jnp.int32), jnp.full((pad,), fill, jnp.int32)])

    src_a2d = pad_idx(edge_a2s[0], 0)
    dst_a2d = pad_idx(edge_a2s[1], N_NODE)
    src_s2d = pad_idx(edge_s2s[0], 0)
    dst_s2d = pad_idx(edge_s2s[1], N_NODE)
    dis_a = jnp.concatenate([dis_a2s, jnp.zeros((pad, 1), F32)])
    dis_s = jnp.concatenate([dis_s2s, jnp.zeros((pad, 1), F32)])

    g_as, g_ad, g_ss, g_sd = _gather4(
        src_a2d, dst_a2d, src_s2d, dst_s2d, ta_src, ta_dst, ts_src, ts_dst)

    num_a, den_a = _edge_mlp(g_as, g_ad, dis_a, w1u[4:5], w2u,
                             b2u.reshape(1, 2 * 64), w3u,
                             b3u.reshape(1, 2 * f))
    num_s, den_s = _edge_mlp(g_ss, g_sd, dis_s, w1x[4:5], w2x,
                             b2x.reshape(1, 2 * 64), w3x,
                             b3x.reshape(1, 2 * f))

    zeros = jnp.zeros((N_NODE + 8, f), F32)
    numa, dena = _scatter_add(dst_a2d, num_a, den_a, zeros)
    nums, dens = _scatter_add(dst_s2d, num_s, den_s, zeros)

    pu = params["h_updater"]
    w1f = pu["W1"]
    return _final_mlp(
        pos_state, h, x, numa, dena, nums, dens,
        w1f[0:2], w1f[2:130], w1f[130:258], w1f[258:386], w1f[386:514],
        pu["b1"].reshape(1, -1), pu["W2"], pu["b2"].reshape(1, -1),
        pu["W3"], pu["b3"].reshape(1, -1))

# --- scband reference (transcript-rebuilt; emitter-appended) ---
"""Pipeline reference for scband-history-filter-classic-gat2-3917010174749 (READ-ONLY COPY).

The authoritative reference and input builder live on the scoring server;
editing this copy changes nothing except your own understanding.
"""

import jax, jax.numpy as jnp
import numpy as np

NS = 10000
NA = 10000
EA = 320000
ES = 320000
X_DIM = 128
U_DIM = 128
HID = 128
MLP = 64


def _mlp_params(key, din, dout):
    k1, k2, k3 = jax.random.split(key, 3)
    return {
        'W1': jax.random.normal(k1, (din, MLP), jnp.float32) * 0.05,
        'b1': jnp.zeros((MLP,), jnp.float32),
        'W2': jax.random.normal(k2, (MLP, MLP), jnp.float32) * 0.05,
        'b2': jnp.zeros((MLP,), jnp.float32),
        'W3': jax.random.normal(k3, (MLP, dout), jnp.float32) * 0.05,
        'b3': jnp.zeros((dout,), jnp.float32),
    }


def _mlp(p, x):
    h = jnp.tanh(x @ p['W1'] + p['b1'])
    h = jnp.tanh(h @ p['W2'] + p['b2'])
    return h @ p['W3'] + p['b3']


def _edge_softmax(logits, dst, n):
    m = jax.ops.segment_max(logits, dst, num_segments=n)
    m = jnp.where(jnp.isfinite(m), m, 0.0)
    e = jnp.exp(logits - m[dst])
    s = jax.ops.segment_sum(e, dst, num_segments=n)
    return e / s[dst]


def setup_inputs(seed: int = 0):
    key = jax.random.key(seed)
    ks = jax.random.split(key, 16)
    d_u2h = 2 * 2 + 1 + U_DIM + HID + X_DIM
    d_x2h = 2 * 2 + 1 + HID + X_DIM + HID + X_DIM
    d_upd = 2 + 3 * HID + X_DIM
    params = {
        'u2h_logit': _mlp_params(ks[0], d_u2h, HID),
        'u2h_u': _mlp_params(ks[1], d_u2h, HID),
        'x2h_logit': _mlp_params(ks[2], d_x2h, HID),
        'x2h_x': _mlp_params(ks[3], d_x2h, HID),
        'h_updater': _mlp_params(ks[4], d_upd, HID),
    }
    return {
        'h': jax.random.normal(ks[5], (NS, HID), jnp.float32),
        'x': jax.random.normal(ks[6], (NS, X_DIM), jnp.float32),
        'u': jax.random.normal(ks[7], (NA, U_DIM), jnp.float32),
        'pos_state': jax.random.normal(ks[8], (NS, 2), jnp.float32),
        'pos_action': jax.random.normal(ks[9], (NA, 2), jnp.float32),
        'dis_a2s': jax.random.uniform(ks[10], (EA, 1), jnp.float32),
        'dis_s2s': jax.random.uniform(ks[11], (ES, 1), jnp.float32),
        'edge_a2s': jax.random.randint(ks[12], (2, EA), 0, NS, jnp.int32).astype(jnp.int64),
        'edge_s2s': jax.random.randint(ks[13], (2, ES), 0, NS, jnp.int32).astype(jnp.int64),
        'params': params,
    }


def reference(h, x, u, pos_state, pos_action, dis_a2s, dis_s2s, edge_a2s, edge_s2s, params):
    src_a = edge_a2s[0]
    dst_a = edge_a2s[1]
    inp_u = jnp.concatenate([pos_action[src_a], pos_state[dst_a], dis_a2s, u[src_a], h[dst_a], x[dst_a]], axis=-1)
    logit_u = _mlp(params['u2h_logit'], inp_u)
    msg_u = _mlp(params['u2h_u'], inp_u)
    attn_u = _edge_softmax(logit_u, dst_a, NS)
    sum_u = jax.ops.segment_sum(attn_u * msg_u, dst_a, num_segments=NS)
    src_s = edge_s2s[0]
    dst_s = edge_s2s[1]
    inp_x = jnp.concatenate([pos_state[src_s], pos_state[dst_s], dis_s2s, h[src_s], x[src_s], h[dst_s], x[dst_s]], axis=-1)
    logit_x = _mlp(params['x2h_logit'], inp_x)
    msg_x = _mlp(params['x2h_x'], inp_x)
    attn_x = _edge_softmax(logit_x, dst_s, NS)
    sum_x = jax.ops.segment_sum(attn_x * msg_x, dst_s, num_segments=NS)
    inp = jnp.concatenate([pos_state, h, sum_u, sum_x, x], axis=-1)
    return _mlp(params['h_updater'], inp)

if __name__ == "__main__":
    import jax
    _d = setup_inputs()
    print(jax.jit(kernel)(*tuple(_d.values())))

</pallas_src>

<mosaic_0001>
#map = affine_map<(d0, d1) -> (0)>
#map1 = affine_map<(d0, d1) -> (0, 0)>
module attributes {stable_mosaic.version = 14 : i64} {
  func.func @_scatter_body(%arg0: i32, %arg1: i32, %arg2: memref<323584xi32, #tpu.memory_space<hbm>>, %arg3: memref<323584x128xf32, #tpu.memory_space<hbm>>, %arg4: memref<323584x128xf32, #tpu.memory_space<hbm>>, %arg5: memref<10008x128xf32, #tpu.memory_space<hbm>>, %arg6: memref<10000x128xf32, #tpu.memory_space<hbm>>, %arg7: memref<10000x128xf32, #tpu.memory_space<hbm>>, %arg8: memref<128xi32, #tpu.memory_space<vmem>>, %arg9: memref<128xi32, #tpu.memory_space<vmem>>, %arg10: memref<128x128xf32, #tpu.memory_space<vmem>>, %arg11: memref<128x128xf32, #tpu.memory_space<vmem>>, %arg12: memref<10008x128xf32, #tpu.memory_space<vmem_shared>>, %arg13: memref<!tpu.dma_semaphore, #tpu.memory_space<semaphore_mem>>, %arg14: memref<!tpu.dma_semaphore, #tpu.memory_space<semaphore_mem>>, %arg15: memref<!tpu.dma_semaphore, #tpu.memory_space<semaphore_mem>>, %arg16: memref<!tpu.dma_semaphore, #tpu.memory_space<semaphore_mem>>, %arg17: memref<!tpu.dma_semaphore, #tpu.memory_space<semaphore_mem>>, %arg18: memref<!tpu.dma_semaphore, #tpu.memory_space<semaphore_mem>>) attributes {dimension_semantics = [#tpu.dimension_semantics<core_parallel>, #tpu.dimension_semantics<subcore_parallel>], iteration_bounds = array<i64: 2, 16>, scalar_prefetch = 0 : i64, scratch_operands = 11 : i64, tpu.core_type = #tpu.core_type<sc_vector_subcore>, window_params = [{transform_indices = #map}, {transform_indices = #map1}, {transform_indices = #map1}, {transform_indices = #map1}, {transform_indices = #map1}, {transform_indices = #map1}]} {
    %eq3A = arith.constant 0 : i32
    %eq3A_0 = arith.cmpi eq, %arg1, %eq3A : i32
    %convert_element_type3A = arith.extui %eq3A_0 : i1 to i32
    %cond3A = arith.constant 0 : i32
    %cond3A_1 = arith.cmpi ne, %convert_element_type3A, %cond3A : i32
    scf.if %cond3A_1 {
      "tpu.region"() ({
        %run_scoped3A = tpu.sem_alloc : memref<!tpu.dma_semaphore, #tpu.memory_space<semaphore_mem>>
        tpu.enqueue_dma source(%arg5 : memref<10008x128xf32, #tpu.memory_space<hbm>>) target(%arg12 : memref<10008x128xf32, #tpu.memory_space<vmem_shared>>) target_semaphore(%run_scoped3A : memref<!tpu.dma_semaphore, #tpu.memory_space<semaphore_mem>>)
        tpu.wait_dma2 semaphore(%run_scoped3A : memref<!tpu.dma_semaphore, #tpu.memory_space<semaphore_mem>>) src(%arg5 : memref<10008x128xf32, #tpu.memory_space<hbm>>) dst(%arg12 : memref<10008x128xf32, #tpu.memory_space<vmem_shared>>)
        tpu.yield
      }) : () -> ()
    } else {
    }
    %barrier3A = arith.constant 0 : index
    tpu.barrier barrier_id(%barrier3A)
    %eq3A_2 = arith.constant 0 : i32
    %eq3A_3 = arith.cmpi eq, %arg0, %eq3A_2 : i32
    %convert_element_type3A_4 = arith.extui %eq3A_3 : i1 to i32
    %cond3A_5 = arith.constant 0 : i32
    %cond3A_6 = arith.cmpi ne, %convert_element_type3A_4, %cond3A_5 : i32
    scf.if %cond3A_6 {
      %scan3A = arith.constant 0 : i32
      %scan3A_17 = arith.constant 0 : i32
      %scan3A_18 = arith.constant 79 : i32
      %scan3A_19 = arith.addi %scan3A_17, %scan3A_18 : i32
      %scan3A_20 = arith.constant 1 : i32
      scf.for %scan3A_22 = %scan3A_17 to %scan3A_19 step %scan3A_20  : i32 {
        %mul3A = arith.constant 2 : i32
        %mul3A_23 = arith.muli %scan3A_22, %mul3A : i32
        %add3A = arith.constant 0 : i32
        %add3A_24 = arith.addi %mul3A_23, %add3A : i32
        %mul3A_25 = arith.constant 16 : i32
        %mul3A_26 = arith.muli %add3A_24, %mul3A_25 : i32
        %add3A_27 = arith.addi %arg1, %mul3A_26 : i32
        %mul3A_28 = arith.constant 128 : i32
        %mul3A_29 = arith.muli %add3A_27, %mul3A_28 : i32
        %dma_start3A = tpu.memref_slice %arg2[%mul3A_29] : memref<323584xi32, #tpu.memory_space<hbm>> -> memref<128xi32, #tpu.memory_space<hbm>>
        %dma_start3A_30 = tpu.memref_slice %arg2[%mul3A_29] : memref<323584xi32, #tpu.memory_space<hbm>> -> memref<128xi32, #tpu.memory_space<hbm>>
        tpu.enqueue_dma source(%dma_start3A_30 : memref<128xi32, #tpu.memory_space<hbm>>) target(%arg8 : memref<128xi32, #tpu.memory_space<vmem>>) target_semaphore(%arg13 : memref<!tpu.dma_semaphore, #tpu.memory_space<semaphore_mem>>)
        %dma_start3A_31 = arith.constant 0 : i32
        %dma_start3A_32 = tpu.memref_slice %arg3[%mul3A_29, %dma_start3A_31] : memref<323584x128xf32, #tpu.memory_space<hbm>> -> memref<128x128xf32, #tpu.memory_space<hbm>>
        %dma_start3A_33 = arith.constant 0 : i32
        %dma_start3A_34 = tpu.memref_slice %arg3[%mul3A_29, %dma_start3A_33] : memref<323584x128xf32, #tpu.memory_space<hbm>> -> memref<128x128xf32, #tpu.memory_space<hbm>>
        tpu.enqueue_dma source(%dma_start3A_34 : memref<128x128xf32, #tpu.memory_space<hbm>>) target(%arg10 : memref<128x128xf32, #tpu.memory_space<vmem>>) target_semaphore(%arg15 : memref<!tpu.dma_semaphore, #tpu.memory_space<semaphore_mem>>)
        %mul3A_35 = arith.constant 2 : i32
        %mul3A_36 = arith.muli %scan3A_22, %mul3A_35 : i32
        %add3A_37 = arith.constant 1 : i32
        %add3A_38 = arith.addi %mul3A_36, %add3A_37 : i32
        %mul3A_39 = arith.constant 16 : i32
        %mul3A_40 = arith.muli %add3A_38, %mul3A_39 : i32
        %add3A_41 = arith.addi %arg1, %mul3A_40 : i32
        %mul3A_42 = arith.constant 128 : i32
        %mul3A_43 = arith.muli %add3A_41, %mul3A_42 : i32
        %dma_start3A_44 = tpu.memref_slice %arg2[%mul3A_43] : memref<323584xi32, #tpu.memory_space<hbm>> -> memref<128xi32, #tpu.memory_space<hbm>>
        %dma_start3A_45 = tpu.memref_slice %arg2[%mul3A_43] : memref<323584xi32, #tpu.memory_space<hbm>> -> memref<128xi32, #tpu.memory_space<hbm>>
        tpu.enqueue_dma source(%dma_start3A_45 : memref<128xi32, #tpu.memory_space<hbm>>) target(%arg9 : memref<128xi32, #tpu.memory_space<vmem>>) target_semaphore(%arg14 : memref<!tpu.dma_semaphore, #tpu.memory_space<semaphore_mem>>)
        %dma_start3A_46 = arith.constant 0 : i32
        %dma_start3A_47 = tpu.memref_slice %arg3[%mul3A_43, %dma_start3A_46] : memref<323584x128xf32, #tpu.memory_space<hbm>> -> memref<128x128xf32, #tpu.memory_space<hbm>>
        %dma_start3A_48 = arith.constant 0 : i32
        %dma_start3A_49 = tpu.memref_slice %arg3[%mul3A_43, %dma_start3A_48] : memref<323584x128xf32, #tpu.memory_space<hbm>> -> memref<128x128xf32, #tpu.memory_space<hbm>>
        tpu.enqueue_dma source(%dma_start3A_49 : memref<128x128xf32, #tpu.memory_space<hbm>>) target(%arg11 : memref<128x128xf32, #tpu.memory_space<vmem>>) target_semaphore(%arg16 : memref<!tpu.dma_semaphore, #tpu.memory_space<semaphore_mem>>)
        %dma_wait3A = tpu.memref_slice %arg2[%mul3A_29] : memref<323584xi32, #tpu.memory_space<hbm>> -> memref<128xi32, #tpu.memory_space<hbm>>
        %dma_wait3A_50 = tpu.memref_slice %arg2[%mul3A_29] : memref<323584xi32, #tpu.memory_space<hbm>> -> memref<128xi32, #tpu.memory_space<hbm>>
        tpu.wait_dma2 semaphore(%arg13 : memref<!tpu.dma_semaphore, #tpu.memory_space<semaphore_mem>>) src(%dma_wait3A_50 : memref<128xi32, #tpu.memory_space<hbm>>) dst(%arg8 : memref<128xi32, #tpu.memory_space<vmem>>)
        %dma_wait3A_51 = arith.constant 0 : i32
        %dma_wait3A_52 = tpu.memref_slice %arg3[%mul3A_29, %dma_wait3A_51] : memref<323584x128xf32, #tpu.memory_space<hbm>> -> memref<128x128xf32, #tpu.memory_space<hbm>>
        %dma_wait3A_53 = arith.constant 0 : i32
        %dma_wait3A_54 = tpu.memref_slice %arg3[%mul3A_29, %dma_wait3A_53] : memref<323584x128xf32, #tpu.memory_space<hbm>> -> memref<128x128xf32, #tpu.memory_space<hbm>>
        tpu.wait_dma2 semaphore(%arg15 : memref<!tpu.dma_semaphore, #tpu.memory_space<semaphore_mem>>) src(%dma_wait3A_54 : memref<128x128xf32, #tpu.memory_space<hbm>>) dst(%arg10 : memref<128x128xf32, #tpu.memory_space<vmem>>)
        %dma_start3A_55 = arith.constant 0 : i32
        %dma_start3A_56 = arith.constant 0 : i32
        %dma_start3A_57 = tpu.memref_slice %arg12[%dma_start3A_55, %dma_start3A_56] : memref<10008x128xf32, #tpu.memory_space<vmem_shared>> -> memref<10008x128xf32, #tpu.memory_space<vmem_shared>>
        tpu.enqueue_indirect_dma source(%arg10 : memref<128x128xf32, #tpu.memory_space<vmem>>) target(%dma_start3A_57 : memref<10008x128xf32, #tpu.memory_space<vmem_shared>>) offsets(%arg8 : memref<128xi32, #tpu.memory_space<vmem>>) semaphore(%arg17 : memref<!tpu.dma_semaphore, #tpu.memory_space<semaphore_mem>>) {add = true}
        %dma_wait3A_58 = tpu.memref_slice %arg2[%mul3A_43] : memref<323584xi32, #tpu.memory_space<hbm>> -> memref<128xi32, #tpu.memory_space<hbm>>
        %dma_wait3A_59 = tpu.memref_slice %arg2[%mul3A_43] : memref<323584xi32, #tpu.memory_space<hbm>> -> memref<128xi32, #tpu.memory_space<hbm>>
        tpu.wait_dma2 semaphore(%arg14 : memref<!tpu.dma_semaphore, #tpu.memory_space<semaphore_mem>>) src(%dma_wait3A_59 : memref<128xi32, #tpu.memory_space<hbm>>) dst(%arg9 : memref<128xi32, #tpu.memory_space<vmem>>)
        %dma_wait3A_60 = arith.constant 0 : i32
        %dma_wait3A_61 = tpu.memref_slice %arg3[%mul3A_43, %dma_wait3A_60] : memref<323584x128xf32, #tpu.memory_space<hbm>> -> memref<128x128xf32, #tpu.memory_space<hbm>>
        %dma_wait3A_62 = arith.constant 0 : i32
        %dma_wait3A_63 = tpu.memref_slice %arg3[%mul3A_43, %dma_wait3A_62] : memref<323584x128xf32, #tpu.memory_space<hbm>> -> memref<128x128xf32, #tpu.memory_space<hbm>>
        tpu.wait_dma2 semaphore(%arg16 : memref<!tpu.dma_semaphore, #tpu.memory_space<semaphore_mem>>) src(%dma_wait3A_63 : memref<128x128xf32, #tpu.memory_space<hbm>>) dst(%arg11 : memref<128x128xf32, #tpu.memory_space<vmem>>)
        %dma_start3A_64 = arith.constant 0 : i32
        %dma_start3A_65 = arith.constant 0 : i32
        %dma_start3A_66 = tpu.memref_slice %arg12[%dma_start3A_64, %dma_start3A_65] : memref<10008x128xf32, #tpu.memory_space<vmem_shared>> -> memref<10008x128xf32, #tpu.memory_space<vmem_shared>>
        tpu.enqueue_indirect_dma source(%arg11 : memref<128x128xf32, #tpu.memory_space<vmem>>) target(%dma_start3A_66 : memref<10008x128xf32, #tpu.memory_space<vmem_shared>>) offsets(%arg9 : memref<128xi32, #tpu.memory_space<vmem>>) semaphore(%arg18 : memref<!tpu.dma_semaphore, #tpu.memory_space<semaphore_mem>>) {add = true}
        %dma_wait3A_67 = arith.constant 0 : i32
        %dma_wait3A_68 = arith.constant 0 : i32
        %dma_wait3A_69 = tpu.memref_slice %arg12[%dma_wait3A_67, %dma_wait3A_68] : memref<10008x128xf32, #tpu.memory_space<vmem_shared>> -> memref<10008x128xf32, #tpu.memory_space<vmem_shared>>
        tpu.wait_indirect_dma semaphore(%arg17 : memref<!tpu.dma_semaphore, #tpu.memory_space<semaphore_mem>>) src(%arg10 : memref<128x128xf32, #tpu.memory_space<vmem>>) dst(%dma_wait3A_69 : memref<10008x128xf32, #tpu.memory_space<vmem_shared>>)
        %dma_wait3A_70 = arith.constant 0 : i32
        %dma_wait3A_71 = arith.constant 0 : i32
        %dma_wait3A_72 = tpu.memref_slice %arg12[%dma_wait3A_70, %dma_wait3A_71] : memref<10008x128xf32, #tpu.memory_space<vmem_shared>> -> memref<10008x128xf32, #tpu.memory_space<vmem_shared>>
        tpu.wait_indirect_dma semaphore(%arg18 : memref<!tpu.dma_semaphore, #tpu.memory_space<semaphore_mem>>) src(%arg11 : memref<128x128xf32, #tpu.memory_space<vmem>>) dst(%dma_wait3A_72 : memref<10008x128xf32, #tpu.memory_space<vmem_shared>>)
      }
      %scan3A_21 = arith.constant 79 : i32
    } else {
    }
    %eq3A_7 = arith.constant 1 : i32
    %eq3A_8 = arith.cmpi eq, %arg0, %eq3A_7 : i32
    %convert_element_type3A_9 = arith.extui %eq3A_8 : i1 to i32
    %cond3A_10 = arith.constant 0 : i32
    %cond3A_11 = arith.cmpi ne, %convert_element_type3A_9, %cond3A_10 : i32
    scf.if %cond3A_11 {
      %scan3A = arith.constant 0 : i32
      %scan3A_17 = arith.constant 0 : i32
      %scan3A_18 = arith.constant 79 : i32
      %scan3A_19 = arith.addi %scan3A_17, %scan3A_18 : i32
      %scan3A_20 = arith.constant 1 : i32
      scf.for %scan3A_22 = %scan3A_17 to %scan3A_19 step %scan3A_20  : i32 {
        %mul3A = arith.constant 2 : i32
        %mul3A_23 = arith.muli %scan3A_22, %mul3A : i32
        %add3A = arith.constant 0 : i32
        %add3A_24 = arith.addi %mul3A_23, %add3A : i32
        %mul3A_25 = arith.constant 16 : i32
        %mul3A_26 = arith.muli %add3A_24, %mul3A_25 : i32
        %add3A_27 = arith.addi %arg1, %mul3A_26 : i32
        %mul3A_28 = arith.constant 128 : i32
        %mul3A_29 = arith.muli %add3A_27, %mul3A_28 : i32
        %dma_start3A = tpu.memref_slice %arg2[%mul3A_29] : memref<323584xi32, #tpu.memory_space<hbm>> -> memref<128xi32, #tpu.memory_space<hbm>>
        %dma_start3A_30 = tpu.memref_slice %arg2[%mul3A_29] : memref<323584xi32, #tpu.memory_space<hbm>> -> memref<128xi32, #tpu.memory_space<hbm>>
        tpu.enqueue_dma source(%dma_start3A_30 : memref<128xi32, #tpu.memory_space<hbm>>) target(%arg8 : memref<128xi32, #tpu.memory_space<vmem>>) target_semaphore(%arg13 : memref<!tpu.dma_semaphore, #tpu.memory_space<semaphore_mem>>)
        %dma_start3A_31 = arith.constant 0 : i32
        %dma_start3A_32 = tpu.memref_slice %arg4[%mul3A_29, %dma_start3A_31] : memref<323584x128xf32, #tpu.memory_space<hbm>> -> memref<128x128xf32, #tpu.memory_space<hbm>>
        %dma_start3A_33 = arith.constant 0 : i32
        %dma_start3A_34 = tpu.memref_slice %arg4[%mul3A_29, %dma_start3A_33] : memref<323584x128xf32, #tpu.memory_space<hbm>> -> memref<128x128xf32, #tpu.memory_space<hbm>>
        tpu.enqueue_dma source(%dma_start3A_34 : memref<128x128xf32, #tpu.memory_space<hbm>>) target(%arg10 : memref<128x128xf32, #tpu.memory_space<vmem>>) target_semaphore(%arg15 : memref<!tpu.dma_semaphore, #tpu.memory_space<semaphore_mem>>)
        %mul3A_35 = arith.constant 2 : i32
        %mul3A_36 = arith.muli %scan3A_22, %mul3A_35 : i32
        %add3A_37 = arith.constant 1 : i32
        %add3A_38 = arith.addi %mul3A_36, %add3A_37 : i32
        %mul3A_39 = arith.constant 16 : i32
        %mul3A_40 = arith.muli %add3A_38, %mul3A_39 : i32
        %add3A_41 = arith.addi %arg1, %mul3A_40 : i32
        %mul3A_42 = arith.constant 128 : i32
        %mul3A_43 = arith.muli %add3A_41, %mul3A_42 : i32
        %dma_start3A_44 = tpu.memref_slice %arg2[%mul3A_43] : memref<323584xi32, #tpu.memory_space<hbm>> -> memref<128xi32, #tpu.memory_space<hbm>>
        %dma_start3A_45 = tpu.memref_slice %arg2[%mul3A_43] : memref<323584xi32, #tpu.memory_space<hbm>> -> memref<128xi32, #tpu.memory_space<hbm>>
        tpu.enqueue_dma source(%dma_start3A_45 : memref<128xi32, #tpu.memory_space<hbm>>) target(%arg9 : memref<128xi32, #tpu.memory_space<vmem>>) target_semaphore(%arg14 : memref<!tpu.dma_semaphore, #tpu.memory_space<semaphore_mem>>)
        %dma_start3A_46 = arith.constant 0 : i32
        %dma_start3A_47 = tpu.memref_slice %arg4[%mul3A_43, %dma_start3A_46] : memref<323584x128xf32, #tpu.memory_space<hbm>> -> memref<128x128xf32, #tpu.memory_space<hbm>>
        %dma_start3A_48 = arith.constant 0 : i32
        %dma_start3A_49 = tpu.memref_slice %arg4[%mul3A_43, %dma_start3A_48] : memref<323584x128xf32, #tpu.memory_space<hbm>> -> memref<128x128xf32, #tpu.memory_space<hbm>>
        tpu.enqueue_dma source(%dma_start3A_49 : memref<128x128xf32, #tpu.memory_space<hbm>>) target(%arg11 : memref<128x128xf32, #tpu.memory_space<vmem>>) target_semaphore(%arg16 : memref<!tpu.dma_semaphore, #tpu.memory_space<semaphore_mem>>)
        %dma_wait3A = tpu.memref_slice %arg2[%mul3A_29] : memref<323584xi32, #tpu.memory_space<hbm>> -> memref<128xi32, #tpu.memory_space<hbm>>
        %dma_wait3A_50 = tpu.memref_slice %arg2[%mul3A_29] : memref<323584xi32, #tpu.memory_space<hbm>> -> memref<128xi32, #tpu.memory_space<hbm>>
        tpu.wait_dma2 semaphore(%arg13 : memref<!tpu.dma_semaphore, #tpu.memory_space<semaphore_mem>>) src(%dma_wait3A_50 : memref<128xi32, #tpu.memory_space<hbm>>) dst(%arg8 : memref<128xi32, #tpu.memory_space<vmem>>)
        %dma_wait3A_51 = arith.constant 0 : i32
        %dma_wait3A_52 = tpu.memref_slice %arg4[%mul3A_29, %dma_wait3A_51] : memref<323584x128xf32, #tpu.memory_space<hbm>> -> memref<128x128xf32, #tpu.memory_space<hbm>>
        %dma_wait3A_53 = arith.constant 0 : i32
        %dma_wait3A_54 = tpu.memref_slice %arg4[%mul3A_29, %dma_wait3A_53] : memref<323584x128xf32, #tpu.memory_space<hbm>> -> memref<128x128xf32, #tpu.memory_space<hbm>>
        tpu.wait_dma2 semaphore(%arg15 : memref<!tpu.dma_semaphore, #tpu.memory_space<semaphore_mem>>) src(%dma_wait3A_54 : memref<128x128xf32, #tpu.memory_space<hbm>>) dst(%arg10 : memref<128x128xf32, #tpu.memory_space<vmem>>)
        %dma_start3A_55 = arith.constant 0 : i32
        %dma_start3A_56 = arith.constant 0 : i32
        %dma_start3A_57 = tpu.memref_slice %arg12[%dma_start3A_55, %dma_start3A_56] : memref<10008x128xf32, #tpu.memory_space<vmem_shared>> -> memref<10008x128xf32, #tpu.memory_space<vmem_shared>>
        tpu.enqueue_indirect_dma source(%arg10 : memref<128x128xf32, #tpu.memory_space<vmem>>) target(%dma_start3A_57 : memref<10008x128xf32, #tpu.memory_space<vmem_shared>>) offsets(%arg8 : memref<128xi32, #tpu.memory_space<vmem>>) semaphore(%arg17 : memref<!tpu.dma_semaphore, #tpu.memory_space<semaphore_mem>>) {add = true}
        %dma_wait3A_58 = tpu.memref_slice %arg2[%mul3A_43] : memref<323584xi32, #tpu.memory_space<hbm>> -> memref<128xi32, #tpu.memory_space<hbm>>
        %dma_wait3A_59 = tpu.memref_slice %arg2[%mul3A_43] : memref<323584xi32, #tpu.memory_space<hbm>> -> memref<128xi32, #tpu.memory_space<hbm>>
        tpu.wait_dma2 semaphore(%arg14 : memref<!tpu.dma_semaphore, #tpu.memory_space<semaphore_mem>>) src(%dma_wait3A_59 : memref<128xi32, #tpu.memory_space<hbm>>) dst(%arg9 : memref<128xi32, #tpu.memory_space<vmem>>)
        %dma_wait3A_60 = arith.constant 0 : i32
        %dma_wait3A_61 = tpu.memref_slice %arg4[%mul3A_43, %dma_wait3A_60] : memref<323584x128xf32, #tpu.memory_space<hbm>> -> memref<128x128xf32, #tpu.memory_space<hbm>>
        %dma_wait3A_62 = arith.constant 0 : i32
        %dma_wait3A_63 = tpu.memref_slice %arg4[%mul3A_43, %dma_wait3A_62] : memref<323584x128xf32, #tpu.memory_space<hbm>> -> memref<128x128xf32, #tpu.memory_space<hbm>>
        tpu.wait_dma2 semaphore(%arg16 : memref<!tpu.dma_semaphore, #tpu.memory_space<semaphore_mem>>) src(%dma_wait3A_63 : memref<128x128xf32, #tpu.memory_space<hbm>>) dst(%arg11 : memref<128x128xf32, #tpu.memory_space<vmem>>)
        %dma_start3A_64 = arith.constant 0 : i32
        %dma_start3A_65 = arith.constant 0 : i32
        %dma_start3A_66 = tpu.memref_slice %arg12[%dma_start3A_64, %dma_start3A_65] : memref<10008x128xf32, #tpu.memory_space<vmem_shared>> -> memref<10008x128xf32, #tpu.memory_space<vmem_shared>>
        tpu.enqueue_indirect_dma source(%arg11 : memref<128x128xf32, #tpu.memory_space<vmem>>) target(%dma_start3A_66 : memref<10008x128xf32, #tpu.memory_space<vmem_shared>>) offsets(%arg9 : memref<128xi32, #tpu.memory_space<vmem>>) semaphore(%arg18 : memref<!tpu.dma_semaphore, #tpu.memory_space<semaphore_mem>>) {add = true}
        %dma_wait3A_67 = arith.constant 0 : i32
        %dma_wait3A_68 = arith.constant 0 : i32
        %dma_wait3A_69 = tpu.memref_slice %arg12[%dma_wait3A_67, %dma_wait3A_68] : memref<10008x128xf32, #tpu.memory_space<vmem_shared>> -> memref<10008x128xf32, #tpu.memory_space<vmem_shared>>
        tpu.wait_indirect_dma semaphore(%arg17 : memref<!tpu.dma_semaphore, #tpu.memory_space<semaphore_mem>>) src(%arg10 : memref<128x128xf32, #tpu.memory_space<vmem>>) dst(%dma_wait3A_69 : memref<10008x128xf32, #tpu.memory_space<vmem_shared>>)
        %dma_wait3A_70 = arith.constant 0 : i32
        %dma_wait3A_71 = arith.constant 0 : i32
        %dma_wait3A_72 = tpu.memref_slice %arg12[%dma_wait3A_70, %dma_wait3A_71] : memref<10008x128xf32, #tpu.memory_space<vmem_shared>> -> memref<10008x128xf32, #tpu.memory_space<vmem_shared>>
        tpu.wait_indirect_dma semaphore(%arg18 : memref<!tpu.dma_semaphore, #tpu.memory_space<semaphore_mem>>) src(%arg11 : memref<128x128xf32, #tpu.memory_space<vmem>>) dst(%dma_wait3A_72 : memref<10008x128xf32, #tpu.memory_space<vmem_shared>>)
      }
      %scan3A_21 = arith.constant 79 : i32
    } else {
    }
    %barrier3A_12 = arith.constant 0 : index
    tpu.barrier barrier_id(%barrier3A_12)
    %lt3A = arith.constant 10 : i32
    %lt3A_13 = arith.cmpi slt, %arg1, %lt3A : i32
    %convert_element_type3A_14 = arith.extui %lt3A_13 : i1 to i32
    %cond3A_15 = arith.constant 0 : i32
    %cond3A_16 = arith.cmpi ne, %convert_element_type3A_14, %cond3A_15 : i32
    scf.if %cond3A_16 {
      %mul3A = arith.constant 1000 : i32
      %mul3A_17 = arith.muli %arg1, %mul3A : i32
      %eq3A_18 = arith.constant 0 : i32
      %eq3A_19 = arith.cmpi eq, %arg0, %eq3A_18 : i32
      %convert_element_type3A_20 = arith.extui %eq3A_19 : i1 to i32
      %cond3A_21 = arith.constant 0 : i32
      %cond3A_22 = arith.cmpi ne, %convert_element_type3A_20, %cond3A_21 : i32
      scf.if %cond3A_22 {
        "tpu.region"() ({
          %run_scoped3A = tpu.sem_alloc : memref<!tpu.dma_semaphore, #tpu.memory_space<semaphore_mem>>
          %dma_start3A = arith.constant 0 : i32
          %dma_start3A_28 = tpu.memref_slice %arg6[%mul3A_17, %dma_start3A] : memref<10000x128xf32, #tpu.memory_space<hbm>> -> memref<1000x128xf32, #tpu.memory_space<hbm>>
          %dma_start3A_29 = arith.constant 0 : i32
          %dma_start3A_30 = tpu.memref_slice %arg12[%mul3A_17, %dma_start3A_29] : memref<10008x128xf32, #tpu.memory_space<vmem_shared>> -> memref<1000x128xf32, #tpu.memory_space<vmem_shared>>
          tpu.enqueue_dma source(%dma_start3A_30 : memref<1000x128xf32, #tpu.memory_space<vmem_shared>>) target(%dma_start3A_28 : memref<1000x128xf32, #tpu.memory_space<hbm>>) target_semaphore(%run_scoped3A : memref<!tpu.dma_semaphore, #tpu.memory_space<semaphore_mem>>)
          %dma_wait3A = arith.constant 0 : i32
          %dma_wait3A_31 = tpu.memref_slice %arg6[%mul3A_17, %dma_wait3A] : memref<10000x128xf32, #tpu.memory_space<hbm>> -> memref<1000x128xf32, #tpu.memory_space<hbm>>
          %dma_wait3A_32 = arith.constant 0 : i32
          %dma_wait3A_33 = tpu.memref_slice %arg12[%mul3A_17, %dma_wait3A_32] : memref<10008x128xf32, #tpu.memory_space<vmem_shared>> -> memref<1000x128xf32, #tpu.memory_space<vmem_shared>>
          tpu.wait_dma2 semaphore(%run_scoped3A : memref<!tpu.dma_semaphore, #tpu.memory_space<semaphore_mem>>) src(%dma_wait3A_33 : memref<1000x128xf32, #tpu.memory_space<vmem_shared>>) dst(%dma_wait3A_31 : memref<1000x128xf32, #tpu.memory_space<hbm>>)
          tpu.yield
        }) : () -> ()
      } else {
      }
      %eq3A_23 = arith.constant 1 : i32
      %eq3A_24 = arith.cmpi eq, %arg0, %eq3A_23 : i32
      %convert_element_type3A_25 = arith.extui %eq3A_24 : i1 to i32
      %cond3A_26 = arith.constant 0 : i32
      %cond3A_27 = arith.cmpi ne, %convert_element_type3A_25, %cond3A_26 : i32
      scf.if %cond3A_27 {
        "tpu.region"() ({
          %run_scoped3A = tpu.sem_alloc : memref<!tpu.dma_semaphore, #tpu.memory_space<semaphore_mem>>
          %dma_start3A = arith.constant 0 : i32
          %dma_start3A_28 = tpu.memref_slice %arg7[%mul3A_17, %dma_start3A] : memref<10000x128xf32, #tpu.memory_space<hbm>> -> memref<1000x128xf32, #tpu.memory_space<hbm>>
          %dma_start3A_29 = arith.constant 0 : i32
          %dma_start3A_30 = tpu.memref_slice %arg12[%mul3A_17, %dma_start3A_29] : memref<10008x128xf32, #tpu.memory_space<vmem_shared>> -> memref<1000x128xf32, #tpu.memory_space<vmem_shared>>
          tpu.enqueue_dma source(%dma_start3A_30 : memref<1000x128xf32, #tpu.memory_space<vmem_shared>>) target(%dma_start3A_28 : memref<1000x128xf32, #tpu.memory_space<hbm>>) target_semaphore(%run_scoped3A : memref<!tpu.dma_semaphore, #tpu.memory_space<semaphore_mem>>)
          %dma_wait3A = arith.constant 0 : i32
          %dma_wait3A_31 = tpu.memref_slice %arg7[%mul3A_17, %dma_wait3A] : memref<10000x128xf32, #tpu.memory_space<hbm>> -> memref<1000x128xf32, #tpu.memory_space<hbm>>
          %dma_wait3A_32 = arith.constant 0 : i32
          %dma_wait3A_33 = tpu.memref_slice %arg12[%mul3A_17, %dma_wait3A_32] : memref<10008x128xf32, #tpu.memory_space<vmem_shared>> -> memref<1000x128xf32, #tpu.memory_space<vmem_shared>>
          tpu.wait_dma2 semaphore(%run_scoped3A : memref<!tpu.dma_semaphore, #tpu.memory_space<semaphore_mem>>) src(%dma_wait3A_33 : memref<1000x128xf32, #tpu.memory_space<vmem_shared>>) dst(%dma_wait3A_31 : memref<1000x128xf32, #tpu.memory_space<hbm>>)
          tpu.yield
        }) : () -> ()
      } else {
      }
    } else {
    }
    return
  }
}

#map = affine_map<(d0, d1) -> (0)>
#map1 = affine_map<(d0, d1) -> (0, 0)>
module attributes {stable_mosaic.version = 14 : i64} {
  func.func @_gather4_body(%arg0: i32, %arg1: i32, %arg2: memref<323584xi32, #tpu.memory_space<hbm>>, %arg3: memref<323584xi32, #tpu.memory_space<hbm>>, %arg4: memref<323584xi32, #tpu.memory_space<hbm>>, %arg5: memref<323584xi32, #tpu.memory_space<hbm>>, %arg6: memref<10000x128xf32, #tpu.memory_space<hbm>>, %arg7: memref<10000x128xf32, #tpu.memory_space<hbm>>, %arg8: memref<10000x128xf32, #tpu.memory_space<hbm>>, %arg9: memref<10000x128xf32, #tpu.memory_space<hbm>>, %arg10: memref<323584x128xf32, #tpu.memory_space<hbm>>, %arg11: memref<323584x128xf32, #tpu.memory_space<hbm>>, %arg12: memref<323584x128xf32, #tpu.memory_space<hbm>>, %arg13: memref<323584x128xf32, #tpu.memory_space<hbm>>, %arg14: memref<128xi32, #tpu.memory_space<vmem>>, %arg15: memref<128xi32, #tpu.memory_space<vmem>>, %arg16: memref<128xi32, #tpu.memory_space<vmem>>, %arg17: memref<128xi32, #tpu.memory_space<vmem>>, %arg18: memref<128x128xf32, #tpu.memory_space<vmem>>, %arg19: memref<128x128xf32, #tpu.memory_space<vmem>>, %arg20: memref<128x128xf32, #tpu.memory_space<vmem>>, %arg21: memref<128x128xf32, #tpu.memory_space<vmem>>, %arg22: memref<!tpu.dma_semaphore, #tpu.memory_space<semaphore_mem>>, %arg23: memref<!tpu.dma_semaphore, #tpu.memory_space<semaphore_mem>>, %arg24: memref<!tpu.dma_semaphore, #tpu.memory_space<semaphore_mem>>, %arg25: memref<!tpu.dma_semaphore, #tpu.memory_space<semaphore_mem>>) attributes {dimension_semantics = [#tpu.dimension_semantics<core_parallel>, #tpu.dimension_semantics<subcore_parallel>], iteration_bounds = array<i64: 2, 16>, scalar_prefetch = 0 : i64, scratch_operands = 12 : i64, tpu.core_type = #tpu.core_type<sc_vector_subcore>, window_params = [{transform_indices = #map}, {transform_indices = #map}, {transform_indices = #map}, {transform_indices = #map}, {transform_indices = #map1}, {transform_indices = #map1}, {transform_indices = #map1}, {transform_indices = #map1}, {transform_indices = #map1}, {transform_indices = #map1}, {transform_indices = #map1}, {transform_indices = #map1}]} {
    %mul3A = arith.constant 2 : i32
    %mul3A_0 = arith.muli %arg1, %mul3A : i32
    %add3A = arith.addi %mul3A_0, %arg0 : i32
    %scan3A = arith.constant 0 : i32
    %scan3A_1 = arith.constant 0 : i32
    %scan3A_2 = arith.constant 79 : i32
    %scan3A_3 = arith.addi %scan3A_1, %scan3A_2 : i32
    %scan3A_4 = arith.constant 1 : i32
    scf.for %scan3A_6 = %scan3A_1 to %scan3A_3 step %scan3A_4  : i32 {
      %mul3A_7 = arith.constant 32 : i32
      %mul3A_8 = arith.muli %scan3A_6, %mul3A_7 : i32
      %add3A_9 = arith.addi %add3A, %mul3A_8 : i32
      %mul3A_10 = arith.constant 128 : i32
      %mul3A_11 = arith.muli %add3A_9, %mul3A_10 : i32
      "tpu.region"() ({
        %run_scoped3A = tpu.sem_alloc : memref<!tpu.dma_semaphore, #tpu.memory_space<semaphore_mem>>
        %dma_start3A_34 = tpu.memref_slice %arg2[%mul3A_11] : memref<323584xi32, #tpu.memory_space<hbm>> -> memref<128xi32, #tpu.memory_space<hbm>>
        %dma_start3A_35 = tpu.memref_slice %arg2[%mul3A_11] : memref<323584xi32, #tpu.memory_space<hbm>> -> memref<128xi32, #tpu.memory_space<hbm>>
        tpu.enqueue_dma source(%dma_start3A_35 : memref<128xi32, #tpu.memory_space<hbm>>) target(%arg14 : memref<128xi32, #tpu.memory_space<vmem>>) target_semaphore(%run_scoped3A : memref<!tpu.dma_semaphore, #tpu.memory_space<semaphore_mem>>)
        %dma_wait3A_36 = tpu.memref_slice %arg2[%mul3A_11] : memref<323584xi32, #tpu.memory_space<hbm>> -> memref<128xi32, #tpu.memory_space<hbm>>
        %dma_wait3A_37 = tpu.memref_slice %arg2[%mul3A_11] : memref<323584xi32, #tpu.memory_space<hbm>> -> memref<128xi32, #tpu.memory_space<hbm>>
        tpu.wait_dma2 semaphore(%run_scoped3A : memref<!tpu.dma_semaphore, #tpu.memory_space<semaphore_mem>>) src(%dma_wait3A_37 : memref<128xi32, #tpu.memory_space<hbm>>) dst(%arg14 : memref<128xi32, #tpu.memory_space<vmem>>)
        tpu.yield
      }) : () -> ()
      "tpu.region"() ({
        %run_scoped3A = tpu.sem_alloc : memref<!tpu.dma_semaphore, #tpu.memory_space<semaphore_mem>>
        %dma_start3A_34 = tpu.memref_slice %arg3[%mul3A_11] : memref<323584xi32, #tpu.memory_space<hbm>> -> memref<128xi32, #tpu.memory_space<hbm>>
        %dma_start3A_35 = tpu.memref_slice %arg3[%mul3A_11] : memref<323584xi32, #tpu.memory_space<hbm>> -> memref<128xi32, #tpu.memory_space<hbm>>
        tpu.enqueue_dma source(%dma_start3A_35 : memref<128xi32, #tpu.memory_space<hbm>>) target(%arg15 : memref<128xi32, #tpu.memory_space<vmem>>) target_semaphore(%run_scoped3A : memref<!tpu.dma_semaphore, #tpu.memory_space<semaphore_mem>>)
        %dma_wait3A_36 = tpu.memref_slice %arg3[%mul3A_11] : memref<323584xi32, #tpu.memory_space<hbm>> -> memref<128xi32, #tpu.memory_space<hbm>>
        %dma_wait3A_37 = tpu.memref_slice %arg3[%mul3A_11] : memref<323584xi32, #tpu.memory_space<hbm>> -> memref<128xi32, #tpu.memory_space<hbm>>
        tpu.wait_dma2 semaphore(%run_scoped3A : memref<!tpu.dma_semaphore, #tpu.memory_space<semaphore_mem>>) src(%dma_wait3A_37 : memref<128xi32, #tpu.memory_space<hbm>>) dst(%arg15 : memref<128xi32, #tpu.memory_space<vmem>>)
        tpu.yield
      }) : () -> ()
      "tpu.region"() ({
        %run_scoped3A = tpu.sem_alloc : memref<!tpu.dma_semaphore, #tpu.memory_space<semaphore_mem>>
        %dma_start3A_34 = tpu.memref_slice %arg4[%mul3A_11] : memref<323584xi32, #tpu.memory_space<hbm>> -> memref<128xi32, #tpu.memory_space<hbm>>
        %dma_start3A_35 = tpu.memref_slice %arg4[%mul3A_11] : memref<323584xi32, #tpu.memory_space<hbm>> -> memref<128xi32, #tpu.memory_space<hbm>>
        tpu.enqueue_dma source(%dma_start3A_35 : memref<128xi32, #tpu.memory_space<hbm>>) target(%arg16 : memref<128xi32, #tpu.memory_space<vmem>>) target_semaphore(%run_scoped3A : memref<!tpu.dma_semaphore, #tpu.memory_space<semaphore_mem>>)
        %dma_wait3A_36 = tpu.memref_slice %arg4[%mul3A_11] : memref<323584xi32, #tpu.memory_space<hbm>> -> memref<128xi32, #tpu.memory_space<hbm>>
        %dma_wait3A_37 = tpu.memref_slice %arg4[%mul3A_11] : memref<323584xi32, #tpu.memory_space<hbm>> -> memref<128xi32, #tpu.memory_space<hbm>>
        tpu.wait_dma2 semaphore(%run_scoped3A : memref<!tpu.dma_semaphore, #tpu.memory_space<semaphore_mem>>) src(%dma_wait3A_37 : memref<128xi32, #tpu.memory_space<hbm>>) dst(%arg16 : memref<128xi32, #tpu.memory_space<vmem>>)
        tpu.yield
      }) : () -> ()
      "tpu.region"() ({
        %run_scoped3A = tpu.sem_alloc : memref<!tpu.dma_semaphore, #tpu.memory_space<semaphore_mem>>
        %dma_start3A_34 = tpu.memref_slice %arg5[%mul3A_11] : memref<323584xi32, #tpu.memory_space<hbm>> -> memref<128xi32, #tpu.memory_space<hbm>>
        %dma_start3A_35 = tpu.memref_slice %arg5[%mul3A_11] : memref<323584xi32, #tpu.memory_space<hbm>> -> memref<128xi32, #tpu.memory_space<hbm>>
        tpu.enqueue_dma source(%dma_start3A_35 : memref<128xi32, #tpu.memory_space<hbm>>) target(%arg17 : memref<128xi32, #tpu.memory_space<vmem>>) target_semaphore(%run_scoped3A : memref<!tpu.dma_semaphore, #tpu.memory_space<semaphore_mem>>)
        %dma_wait3A_36 = tpu.memref_slice %arg5[%mul3A_11] : memref<323584xi32, #tpu.memory_space<hbm>> -> memref<128xi32, #tpu.memory_space<hbm>>
        %dma_wait3A_37 = tpu.memref_slice %arg5[%mul3A_11] : memref<323584xi32, #tpu.memory_space<hbm>> -> memref<128xi32, #tpu.memory_space<hbm>>
        tpu.wait_dma2 semaphore(%run_scoped3A : memref<!tpu.dma_semaphore, #tpu.memory_space<semaphore_mem>>) src(%dma_wait3A_37 : memref<128xi32, #tpu.memory_space<hbm>>) dst(%arg17 : memref<128xi32, #tpu.memory_space<vmem>>)
        tpu.yield
      }) : () -> ()
      %dma_start3A = arith.constant 0 : i32
      %dma_start3A_12 = arith.constant 0 : i32
      %dma_start3A_13 = tpu.memref_slice %arg6[%dma_start3A, %dma_start3A_12] : memref<10000x128xf32, #tpu.memory_space<hbm>> -> memref<10000x128xf32, #tpu.memory_space<hbm>>
      tpu.enqueue_indirect_dma source(%dma_start3A_13 : memref<10000x128xf32, #tpu.memory_space<hbm>>) target(%arg18 : memref<128x128xf32, #tpu.memory_space<vmem>>) offsets(%arg14 : memref<128xi32, #tpu.memory_space<vmem>>) semaphore(%arg22 : memref<!tpu.dma_semaphore, #tpu.memory_space<semaphore_mem>>)
      %dma_start3A_14 = arith.constant 0 : i32
      %dma_start3A_15 = arith.constant 0 : i32
      %dma_start3A_16 = tpu.memref_slice %arg7[%dma_start3A_14, %dma_start3A_15] : memref<10000x128xf32, #tpu.memory_space<hbm>> -> memref<10000x128xf32, #tpu.memory_space<hbm>>
      tpu.enqueue_indirect_dma source(%dma_start3A_16 : memref<10000x128xf32, #tpu.memory_space<hbm>>) target(%arg19 : memref<128x128xf32, #tpu.memory_space<vmem>>) offsets(%arg15 : memref<128xi32, #tpu.memory_space<vmem>>) semaphore(%arg23 : memref<!tpu.dma_semaphore, #tpu.memory_space<semaphore_mem>>)
      %dma_start3A_17 = arith.constant 0 : i32
      %dma_start3A_18 = arith.constant 0 : i32
      %dma_start3A_19 = tpu.memref_slice %arg8[%dma_start3A_17, %dma_start3A_18] : memref<10000x128xf32, #tpu.memory_space<hbm>> -> memref<10000x128xf32, #tpu.memory_space<hbm>>
      tpu.enqueue_indirect_dma source(%dma_start3A_19 : memref<10000x128xf32, #tpu.memory_space<hbm>>) target(%arg20 : memref<128x128xf32, #tpu.memory_space<vmem>>) offsets(%arg16 : memref<128xi32, #tpu.memory_space<vmem>>) semaphore(%arg24 : memref<!tpu.dma_semaphore, #tpu.memory_space<semaphore_mem>>)
      %dma_start3A_20 = arith.constant 0 : i32
      %dma_start3A_21 = arith.constant 0 : i32
      %dma_start3A_22 = tpu.memref_slice %arg9[%dma_start3A_20, %dma_start3A_21] : memref<10000x128xf32, #tpu.memory_space<hbm>> -> memref<10000x128xf32, #tpu.memory_space<hbm>>
      tpu.enqueue_indirect_dma source(%dma_start3A_22 : memref<10000x128xf32, #tpu.memory_space<hbm>>) target(%arg21 : memref<128x128xf32, #tpu.memory_space<vmem>>) offsets(%arg17 : memref<128xi32, #tpu.memory_space<vmem>>) semaphore(%arg25 : memref<!tpu.dma_semaphore, #tpu.memory_space<semaphore_mem>>)
      %dma_wait3A = arith.constant 0 : i32
      %dma_wait3A_23 = arith.constant 0 : i32
      %dma_wait3A_24 = tpu.memref_slice %arg6[%dma_wait3A, %dma_wait3A_23] : memref<10000x128xf32, #tpu.memory_space<hbm>> -> memref<10000x128xf32, #tpu.memory_space<hbm>>
      tpu.wait_indirect_dma semaphore(%arg22 : memref<!tpu.dma_semaphore, #tpu.memory_space<semaphore_mem>>) src(%dma_wait3A_24 : memref<10000x128xf32, #tpu.memory_space<hbm>>) dst(%arg18 : memref<128x128xf32, #tpu.memory_space<vmem>>)
      %dma_wait3A_25 = arith.constant 0 : i32
      %dma_wait3A_26 = arith.constant 0 : i32
      %dma_wait3A_27 = tpu.memref_slice %arg7[%dma_wait3A_25, %dma_wait3A_26] : memref<10000x128xf32, #tpu.memory_space<hbm>> -> memref<10000x128xf32, #tpu.memory_space<hbm>>
      tpu.wait_indirect_dma semaphore(%arg23 : memref<!tpu.dma_semaphore, #tpu.memory_space<semaphore_mem>>) src(%dma_wait3A_27 : memref<10000x128xf32, #tpu.memory_space<hbm>>) dst(%arg19 : memref<128x128xf32, #tpu.memory_space<vmem>>)
      %dma_wait3A_28 = arith.constant 0 : i32
      %dma_wait3A_29 = arith.constant 0 : i32
      %dma_wait3A_30 = tpu.memref_slice %arg8[%dma_wait3A_28, %dma_wait3A_29] : memref<10000x128xf32, #tpu.memory_space<hbm>> -> memref<10000x128xf32, #tpu.memory_space<hbm>>
      tpu.wait_indirect_dma semaphore(%arg24 : memref<!tpu.dma_semaphore, #tpu.memory_space<semaphore_mem>>) src(%dma_wait3A_30 : memref<10000x128xf32, #tpu.memory_space<hbm>>) dst(%arg20 : memref<128x128xf32, #tpu.memory_space<vmem>>)
      %dma_wait3A_31 = arith.constant 0 : i32
      %dma_wait3A_32 = arith.constant 0 : i32
      %dma_wait3A_33 = tpu.memref_slice %arg9[%dma_wait3A_31, %dma_wait3A_32] : memref<10000x128xf32, #tpu.memory_space<hbm>> -> memref<10000x128xf32, #tpu.memory_space<hbm>>
      tpu.wait_indirect_dma semaphore(%arg25 : memref<!tpu.dma_semaphore, #tpu.memory_space<semaphore_mem>>) src(%dma_wait3A_33 : memref<10000x128xf32, #tpu.memory_space<hbm>>) dst(%arg21 : memref<128x128xf32, #tpu.memory_space<vmem>>)
      "tpu.region"() ({
        %run_scoped3A = tpu.sem_alloc : memref<!tpu.dma_semaphore, #tpu.memory_space<semaphore_mem>>
        %dma_start3A_34 = arith.constant 0 : i32
        %dma_start3A_35 = tpu.memref_slice %arg10[%mul3A_11, %dma_start3A_34] : memref<323584x128xf32, #tpu.memory_space<hbm>> -> memref<128x128xf32, #tpu.memory_space<hbm>>
        %dma_start3A_36 = arith.constant 0 : i32
        %dma_start3A_37 = tpu.memref_slice %arg10[%mul3A_11, %dma_start3A_36] : memref<323584x128xf32, #tpu.memory_space<hbm>> -> memref<128x128xf32, #tpu.memory_space<hbm>>
        tpu.enqueue_dma source(%arg18 : memref<128x128xf32, #tpu.memory_space<vmem>>) target(%dma_start3A_37 : memref<128x128xf32, #tpu.memory_space<hbm>>) target_semaphore(%run_scoped3A : memref<!tpu.dma_semaphore, #tpu.memory_space<semaphore_mem>>)
        %dma_wait3A_38 = arith.constant 0 : i32
        %dma_wait3A_39 = tpu.memref_slice %arg10[%mul3A_11, %dma_wait3A_38] : memref<323584x128xf32, #tpu.memory_space<hbm>> -> memref<128x128xf32, #tpu.memory_space<hbm>>
        %dma_wait3A_40 = arith.constant 0 : i32
        %dma_wait3A_41 = tpu.memref_slice %arg10[%mul3A_11, %dma_wait3A_40] : memref<323584x128xf32, #tpu.memory_space<hbm>> -> memref<128x128xf32, #tpu.memory_space<hbm>>
        tpu.wait_dma2 semaphore(%run_scoped3A : memref<!tpu.dma_semaphore, #tpu.memory_space<semaphore_mem>>) src(%arg18 : memref<128x128xf32, #tpu.memory_space<vmem>>) dst(%dma_wait3A_41 : memref<128x128xf32, #tpu.memory_space<hbm>>)
        tpu.yield
      }) : () -> ()
      "tpu.region"() ({
        %run_scoped3A = tpu.sem_alloc : memref<!tpu.dma_semaphore, #tpu.memory_space<semaphore_mem>>
        %dma_start3A_34 = arith.constant 0 : i32
        %dma_start3A_35 = tpu.memref_slice %arg11[%mul3A_11, %dma_start3A_34] : memref<323584x128xf32, #tpu.memory_space<hbm>> -> memref<128x128xf32, #tpu.memory_space<hbm>>
        %dma_start3A_36 = arith.constant 0 : i32
        %dma_start3A_37 = tpu.memref_slice %arg11[%mul3A_11, %dma_start3A_36] : memref<323584x128xf32, #tpu.memory_space<hbm>> -> memref<128x128xf32, #tpu.memory_space<hbm>>
        tpu.enqueue_dma source(%arg19 : memref<128x128xf32, #tpu.memory_space<vmem>>) target(%dma_start3A_37 : memref<128x128xf32, #tpu.memory_space<hbm>>) target_semaphore(%run_scoped3A : memref<!tpu.dma_semaphore, #tpu.memory_space<semaphore_mem>>)
        %dma_wait3A_38 = arith.constant 0 : i32
        %dma_wait3A_39 = tpu.memref_slice %arg11[%mul3A_11, %dma_wait3A_38] : memref<323584x128xf32, #tpu.memory_space<hbm>> -> memref<128x128xf32, #tpu.memory_space<hbm>>
        %dma_wait3A_40 = arith.constant 0 : i32
        %dma_wait3A_41 = tpu.memref_slice %arg11[%mul3A_11, %dma_wait3A_40] : memref<323584x128xf32, #tpu.memory_space<hbm>> -> memref<128x128xf32, #tpu.memory_space<hbm>>
        tpu.wait_dma2 semaphore(%run_scoped3A : memref<!tpu.dma_semaphore, #tpu.memory_space<semaphore_mem>>) src(%arg19 : memref<128x128xf32, #tpu.memory_space<vmem>>) dst(%dma_wait3A_41 : memref<128x128xf32, #tpu.memory_space<hbm>>)
        tpu.yield
      }) : () -> ()
      "tpu.region"() ({
        %run_scoped3A = tpu.sem_alloc : memref<!tpu.dma_semaphore, #tpu.memory_space<semaphore_mem>>
        %dma_start3A_34 = arith.constant 0 : i32
        %dma_start3A_35 = tpu.memref_slice %arg12[%mul3A_11, %dma_start3A_34] : memref<323584x128xf32, #tpu.memory_space<hbm>> -> memref<128x128xf32, #tpu.memory_space<hbm>>
        %dma_start3A_36 = arith.constant 0 : i32
        %dma_start3A_37 = tpu.memref_slice %arg12[%mul3A_11, %dma_start3A_36] : memref<323584x128xf32, #tpu.memory_space<hbm>> -> memref<128x128xf32, #tpu.memory_space<hbm>>
        tpu.enqueue_dma source(%arg20 : memref<128x128xf32, #tpu.memory_space<vmem>>) target(%dma_start3A_37 : memref<128x128xf32, #tpu.memory_space<hbm>>) target_semaphore(%run_scoped3A : memref<!tpu.dma_semaphore, #tpu.memory_space<semaphore_mem>>)
        %dma_wait3A_38 = arith.constant 0 : i32
        %dma_wait3A_39 = tpu.memref_slice %arg12[%mul3A_11, %dma_wait3A_38] : memref<323584x128xf32, #tpu.memory_space<hbm>> -> memref<128x128xf32, #tpu.memory_space<hbm>>
        %dma_wait3A_40 = arith.constant 0 : i32
        %dma_wait3A_41 = tpu.memref_slice %arg12[%mul3A_11, %dma_wait3A_40] : memref<323584x128xf32, #tpu.memory_space<hbm>> -> memref<128x128xf32, #tpu.memory_space<hbm>>
        tpu.wait_dma2 semaphore(%run_scoped3A : memref<!tpu.dma_semaphore, #tpu.memory_space<semaphore_mem>>) src(%arg20 : memref<128x128xf32, #tpu.memory_space<vmem>>) dst(%dma_wait3A_41 : memref<128x128xf32, #tpu.memory_space<hbm>>)
        tpu.yield
      }) : () -> ()
      "tpu.region"() ({
        %run_scoped3A = tpu.sem_alloc : memref<!tpu.dma_semaphore, #tpu.memory_space<semaphore_mem>>
        %dma_start3A_34 = arith.constant 0 : i32
        %dma_start3A_35 = tpu.memref_slice %arg13[%mul3A_11, %dma_start3A_34] : memref<323584x128xf32, #tpu.memory_space<hbm>> -> memref<128x128xf32, #tpu.memory_space<hbm>>
        %dma_start3A_36 = arith.constant 0 : i32
        %dma_start3A_37 = tpu.memref_slice %arg13[%mul3A_11, %dma_start3A_36] : memref<323584x128xf32, #tpu.memory_space<hbm>> -> memref<128x128xf32, #tpu.memory_space<hbm>>
        tpu.enqueue_dma source(%arg21 : memref<128x128xf32, #tpu.memory_space<vmem>>) target(%dma_start3A_37 : memref<128x128xf32, #tpu.memory_space<hbm>>) target_semaphore(%run_scoped3A : memref<!tpu.dma_semaphore, #tpu.memory_space<semaphore_mem>>)
        %dma_wait3A_38 = arith.constant 0 : i32
        %dma_wait3A_39 = tpu.memref_slice %arg13[%mul3A_11, %dma_wait3A_38] : memref<323584x128xf32, #tpu.memory_space<hbm>> -> memref<128x128xf32, #tpu.memory_space<hbm>>
        %dma_wait3A_40 = arith.constant 0 : i32
        %dma_wait3A_41 = tpu.memref_slice %arg13[%mul3A_11, %dma_wait3A_40] : memref<323584x128xf32, #tpu.memory_space<hbm>> -> memref<128x128xf32, #tpu.memory_space<hbm>>
        tpu.wait_dma2 semaphore(%run_scoped3A : memref<!tpu.dma_semaphore, #tpu.memory_space<semaphore_mem>>) src(%arg21 : memref<128x128xf32, #tpu.memory_space<vmem>>) dst(%dma_wait3A_41 : memref<128x128xf32, #tpu.memory_space<hbm>>)
        tpu.yield
      }) : () -> ()
    }
    %scan3A_5 = arith.constant 79 : i32
    return
  }
}

#map = affine_map<(d0, d1) -> (0)>
#map1 = affine_map<(d0, d1) -> (0, 0)>
module attributes {stable_mosaic.version = 14 : i64} {
  func.func @_scatter_body(%arg0: i32, %arg1: i32, %arg2: memref<323584xi32, #tpu.memory_space<hbm>>, %arg3: memref<323584x128xf32, #tpu.memory_space<hbm>>, %arg4: memref<323584x128xf32, #tpu.memory_space<hbm>>, %arg5: memref<10008x128xf32, #tpu.memory_space<hbm>>, %arg6: memref<10000x128xf32, #tpu.memory_space<hbm>>, %arg7: memref<10000x128xf32, #tpu.memory_space<hbm>>, %arg8: memref<128xi32, #tpu.memory_space<vmem>>, %arg9: memref<128xi32, #tpu.memory_space<vmem>>, %arg10: memref<128x128xf32, #tpu.memory_space<vmem>>, %arg11: memref<128x128xf32, #tpu.memory_space<vmem>>, %arg12: memref<10008x128xf32, #tpu.memory_space<vmem_shared>>, %arg13: memref<!tpu.dma_semaphore, #tpu.memory_space<semaphore_mem>>, %arg14: memref<!tpu.dma_semaphore, #tpu.memory_space<semaphore_mem>>, %arg15: memref<!tpu.dma_semaphore, #tpu.memory_space<semaphore_mem>>, %arg16: memref<!tpu.dma_semaphore, #tpu.memory_space<semaphore_mem>>, %arg17: memref<!tpu.dma_semaphore, #tpu.memory_space<semaphore_mem>>, %arg18: memref<!tpu.dma_semaphore, #tpu.memory_space<semaphore_mem>>) attributes {dimension_semantics = [#tpu.dimension_semantics<core_parallel>, #tpu.dimension_semantics<subcore_parallel>], iteration_bounds = array<i64: 2, 16>, scalar_prefetch = 0 : i64, scratch_operands = 11 : i64, tpu.core_type = #tpu.core_type<sc_vector_subcore>, window_params = [{transform_indices = #map}, {transform_indices = #map1}, {transform_indices = #map1}, {transform_indices = #map1}, {transform_indices = #map1}, {transform_indices = #map1}]} {
    %eq3A = arith.constant 0 : i32
    %eq3A_0 = arith.cmpi eq, %arg1, %eq3A : i32
    %convert_element_type3A = arith.extui %eq3A_0 : i1 to i32
    %cond3A = arith.constant 0 : i32
    %cond3A_1 = arith.cmpi ne, %convert_element_type3A, %cond3A : i32
    scf.if %cond3A_1 {
      "tpu.region"() ({
        %run_scoped3A = tpu.sem_alloc : memref<!tpu.dma_semaphore, #tpu.memory_space<semaphore_mem>>
        tpu.enqueue_dma source(%arg5 : memref<10008x128xf32, #tpu.memory_space<hbm>>) target(%arg12 : memref<10008x128xf32, #tpu.memory_space<vmem_shared>>) target_semaphore(%run_scoped3A : memref<!tpu.dma_semaphore, #tpu.memory_space<semaphore_mem>>)
        tpu.wait_dma2 semaphore(%run_scoped3A : memref<!tpu.dma_semaphore, #tpu.memory_space<semaphore_mem>>) src(%arg5 : memref<10008x128xf32, #tpu.memory_space<hbm>>) dst(%arg12 : memref<10008x128xf32, #tpu.memory_space<vmem_shared>>)
        tpu.yield
      }) : () -> ()
    } else {
    }
    %barrier3A = arith.constant 0 : index
    tpu.barrier barrier_id(%barrier3A)
    %eq3A_2 = arith.constant 0 : i32
    %eq3A_3 = arith.cmpi eq, %arg0, %eq3A_2 : i32
    %convert_element_type3A_4 = arith.extui %eq3A_3 : i1 to i32
    %cond3A_5 = arith.constant 0 : i32
    %cond3A_6 = arith.cmpi ne, %convert_element_type3A_4, %cond3A_5 : i32
    scf.if %cond3A_6 {
      %scan3A = arith.constant 0 : i32
      %scan3A_17 = arith.constant 0 : i32
      %scan3A_18 = arith.constant 79 : i32
      %scan3A_19 = arith.addi %scan3A_17, %scan3A_18 : i32
      %scan3A_20 = arith.constant 1 : i32
      scf.for %scan3A_22 = %scan3A_17 to %scan3A_19 step %scan3A_20  : i32 {
        %mul3A = arith.constant 2 : i32
        %mul3A_23 = arith.muli %scan3A_22, %mul3A : i32
        %add3A = arith.constant 0 : i32
        %add3A_24 = arith.addi %mul3A_23, %add3A : i32
        %mul3A_25 = arith.constant 16 : i32
        %mul3A_26 = arith.muli %add3A_24, %mul3A_25 : i32
        %add3A_27 = arith.addi %arg1, %mul3A_26 : i32
        %mul3A_28 = arith.constant 128 : i32
        %mul3A_29 = arith.muli %add3A_27, %mul3A_28 : i32
        %dma_start3A = tpu.memref_slice %arg2[%mul3A_29] : memref<323584xi32, #tpu.memory_space<hbm>> -> memref<128xi32, #tpu.memory_space<hbm>>
        %dma_start3A_30 = tpu.memref_slice %arg2[%mul3A_29] : memref<323584xi32, #tpu.memory_space<hbm>> -> memref<128xi32, #tpu.memory_space<hbm>>
        tpu.enqueue_dma source(%dma_start3A_30 : memref<128xi32, #tpu.memory_space<hbm>>) target(%arg8 : memref<128xi32, #tpu.memory_space<vmem>>) target_semaphore(%arg13 : memref<!tpu.dma_semaphore, #tpu.memory_space<semaphore_mem>>)
        %dma_start3A_31 = arith.constant 0 : i32
        %dma_start3A_32 = tpu.memref_slice %arg3[%mul3A_29, %dma_start3A_31] : memref<323584x128xf32, #tpu.memory_space<hbm>> -> memref<128x128xf32, #tpu.memory_space<hbm>>
        %dma_start3A_33 = arith.constant 0 : i32
        %dma_start3A_34 = tpu.memref_slice %arg3[%mul3A_29, %dma_start3A_33] : memref<323584x128xf32, #tpu.memory_space<hbm>> -> memref<128x128xf32, #tpu.memory_space<hbm>>
        tpu.enqueue_dma source(%dma_start3A_34 : memref<128x128xf32, #tpu.memory_space<hbm>>) target(%arg10 : memref<128x128xf32, #tpu.memory_space<vmem>>) target_semaphore(%arg15 : memref<!tpu.dma_semaphore, #tpu.memory_space<semaphore_mem>>)
        %mul3A_35 = arith.constant 2 : i32
        %mul3A_36 = arith.muli %scan3A_22, %mul3A_35 : i32
        %add3A_37 = arith.constant 1 : i32
        %add3A_38 = arith.addi %mul3A_36, %add3A_37 : i32
        %mul3A_39 = arith.constant 16 : i32
        %mul3A_40 = arith.muli %add3A_38, %mul3A_39 : i32
        %add3A_41 = arith.addi %arg1, %mul3A_40 : i32
        %mul3A_42 = arith.constant 128 : i32
        %mul3A_43 = arith.muli %add3A_41, %mul3A_42 : i32
        %dma_start3A_44 = tpu.memref_slice %arg2[%mul3A_43] : memref<323584xi32, #tpu.memory_space<hbm>> -> memref<128xi32, #tpu.memory_space<hbm>>
        %dma_start3A_45 = tpu.memref_slice %arg2[%mul3A_43] : memref<323584xi32, #tpu.memory_space<hbm>> -> memref<128xi32, #tpu.memory_space<hbm>>
        tpu.enqueue_dma source(%dma_start3A_45 : memref<128xi32, #tpu.memory_space<hbm>>) target(%arg9 : memref<128xi32, #tpu.memory_space<vmem>>) target_semaphore(%arg14 : memref<!tpu.dma_semaphore, #tpu.memory_space<semaphore_mem>>)
        %dma_start3A_46 = arith.constant 0 : i32
        %dma_start3A_47 = tpu.memref_slice %arg3[%mul3A_43, %dma_start3A_46] : memref<323584x128xf32, #tpu.memory_space<hbm>> -> memref<128x128xf32, #tpu.memory_space<hbm>>
        %dma_start3A_48 = arith.constant 0 : i32
        %dma_start3A_49 = tpu.memref_slice %arg3[%mul3A_43, %dma_start3A_48] : memref<323584x128xf32, #tpu.memory_space<hbm>> -> memref<128x128xf32, #tpu.memory_space<hbm>>
        tpu.enqueue_dma source(%dma_start3A_49 : memref<128x128xf32, #tpu.memory_space<hbm>>) target(%arg11 : memref<128x128xf32, #tpu.memory_space<vmem>>) target_semaphore(%arg16 : memref<!tpu.dma_semaphore, #tpu.memory_space<semaphore_mem>>)
        %dma_wait3A = tpu.memref_slice %arg2[%mul3A_29] : memref<323584xi32, #tpu.memory_space<hbm>> -> memref<128xi32, #tpu.memory_space<hbm>>
        %dma_wait3A_50 = tpu.memref_slice %arg2[%mul3A_29] : memref<323584xi32, #tpu.memory_space<hbm>> -> memref<128xi32, #tpu.memory_space<hbm>>
        tpu.wait_dma2 semaphore(%arg13 : memref<!tpu.dma_semaphore, #tpu.memory_space<semaphore_mem>>) src(%dma_wait3A_50 : memref<128xi32, #tpu.memory_space<hbm>>) dst(%arg8 : memref<128xi32, #tpu.memory_space<vmem>>)
        %dma_wait3A_51 = arith.constant 0 : i32
        %dma_wait3A_52 = tpu.memref_slice %arg3[%mul3A_29, %dma_wait3A_51] : memref<323584x128xf32, #tpu.memory_space<hbm>> -> memref<128x128xf32, #tpu.memory_space<hbm>>
        %dma_wait3A_53 = arith.constant 0 : i32
        %dma_wait3A_54 = tpu.memref_slice %arg3[%mul3A_29, %dma_wait3A_53] : memref<323584x128xf32, #tpu.memory_space<hbm>> -> memref<128x128xf32, #tpu.memory_space<hbm>>
        tpu.wait_dma2 semaphore(%arg15 : memref<!tpu.dma_semaphore, #tpu.memory_space<semaphore_mem>>) src(%dma_wait3A_54 : memref<128x128xf32, #tpu.memory_space<hbm>>) dst(%arg10 : memref<128x128xf32, #tpu.memory_space<vmem>>)
        %dma_start3A_55 = arith.constant 0 : i32
        %dma_start3A_56 = arith.constant 0 : i32
        %dma_start3A_57 = tpu.memref_slice %arg12[%dma_start3A_55, %dma_start3A_56] : memref<10008x128xf32, #tpu.memory_space<vmem_shared>> -> memref<10008x128xf32, #tpu.memory_space<vmem_shared>>
        tpu.enqueue_indirect_dma source(%arg10 : memref<128x128xf32, #tpu.memory_space<vmem>>) target(%dma_start3A_57 : memref<10008x128xf32, #tpu.memory_space<vmem_shared>>) offsets(%arg8 : memref<128xi32, #tpu.memory_space<vmem>>) semaphore(%arg17 : memref<!tpu.dma_semaphore, #tpu.memory_space<semaphore_mem>>) {add = true}
        %dma_wait3A_58 = tpu.memref_slice %arg2[%mul3A_43] : memref<323584xi32, #tpu.memory_space<hbm>> -> memref<128xi32, #tpu.memory_space<hbm>>
        %dma_wait3A_59 = tpu.memref_slice %arg2[%mul3A_43] : memref<323584xi32, #tpu.memory_space<hbm>> -> memref<128xi32, #tpu.memory_space<hbm>>
        tpu.wait_dma2 semaphore(%arg14 : memref<!tpu.dma_semaphore, #tpu.memory_space<semaphore_mem>>) src(%dma_wait3A_59 : memref<128xi32, #tpu.memory_space<hbm>>) dst(%arg9 : memref<128xi32, #tpu.memory_space<vmem>>)
        %dma_wait3A_60 = arith.constant 0 : i32
        %dma_wait3A_61 = tpu.memref_slice %arg3[%mul3A_43, %dma_wait3A_60] : memref<323584x128xf32, #tpu.memory_space<hbm>> -> memref<128x128xf32, #tpu.memory_space<hbm>>
        %dma_wait3A_62 = arith.constant 0 : i32
        %dma_wait3A_63 = tpu.memref_slice %arg3[%mul3A_43, %dma_wait3A_62] : memref<323584x128xf32, #tpu.memory_space<hbm>> -> memref<128x128xf32, #tpu.memory_space<hbm>>
        tpu.wait_dma2 semaphore(%arg16 : memref<!tpu.dma_semaphore, #tpu.memory_space<semaphore_mem>>) src(%dma_wait3A_63 : memref<128x128xf32, #tpu.memory_space<hbm>>) dst(%arg11 : memref<128x128xf32, #tpu.memory_space<vmem>>)
        %dma_start3A_64 = arith.constant 0 : i32
        %dma_start3A_65 = arith.constant 0 : i32
        %dma_start3A_66 = tpu.memref_slice %arg12[%dma_start3A_64, %dma_start3A_65] : memref<10008x128xf32, #tpu.memory_space<vmem_shared>> -> memref<10008x128xf32, #tpu.memory_space<vmem_shared>>
        tpu.enqueue_indirect_dma source(%arg11 : memref<128x128xf32, #tpu.memory_space<vmem>>) target(%dma_start3A_66 : memref<10008x128xf32, #tpu.memory_space<vmem_shared>>) offsets(%arg9 : memref<128xi32, #tpu.memory_space<vmem>>) semaphore(%arg18 : memref<!tpu.dma_semaphore, #tpu.memory_space<semaphore_mem>>) {add = true}
        %dma_wait3A_67 = arith.constant 0 : i32
        %dma_wait3A_68 = arith.constant 0 : i32
        %dma_wait3A_69 = tpu.memref_slice %arg12[%dma_wait3A_67, %dma_wait3A_68] : memref<10008x128xf32, #tpu.memory_space<vmem_shared>> -> memref<10008x128xf32, #tpu.memory_space<vmem_shared>>
        tpu.wait_indirect_dma semaphore(%arg17 : memref<!tpu.dma_semaphore, #tpu.memory_space<semaphore_mem>>) src(%arg10 : memref<128x128xf32, #tpu.memory_space<vmem>>) dst(%dma_wait3A_69 : memref<10008x128xf32, #tpu.memory_space<vmem_shared>>)
        %dma_wait3A_70 = arith.constant 0 : i32
        %dma_wait3A_71 = arith.constant 0 : i32
        %dma_wait3A_72 = tpu.memref_slice %arg12[%dma_wait3A_70, %dma_wait3A_71] : memref<10008x128xf32, #tpu.memory_space<vmem_shared>> -> memref<10008x128xf32, #tpu.memory_space<vmem_shared>>
        tpu.wait_indirect_dma semaphore(%arg18 : memref<!tpu.dma_semaphore, #tpu.memory_space<semaphore_mem>>) src(%arg11 : memref<128x128xf32, #tpu.memory_space<vmem>>) dst(%dma_wait3A_72 : memref<10008x128xf32, #tpu.memory_space<vmem_shared>>)
      }
      %scan3A_21 = arith.constant 79 : i32
    } else {
    }
    %eq3A_7 = arith.constant 1 : i32
    %eq3A_8 = arith.cmpi eq, %arg0, %eq3A_7 : i32
    %convert_element_type3A_9 = arith.extui %eq3A_8 : i1 to i32
    %cond3A_10 = arith.constant 0 : i32
    %cond3A_11 = arith.cmpi ne, %convert_element_type3A_9, %cond3A_10 : i32
    scf.if %cond3A_11 {
      %scan3A = arith.constant 0 : i32
      %scan3A_17 = arith.constant 0 : i32
      %scan3A_18 = arith.constant 79 : i32
      %scan3A_19 = arith.addi %scan3A_17, %scan3A_18 : i32
      %scan3A_20 = arith.constant 1 : i32
      scf.for %scan3A_22 = %scan3A_17 to %scan3A_19 step %scan3A_20  : i32 {
        %mul3A = arith.constant 2 : i32
        %mul3A_23 = arith.muli %scan3A_22, %mul3A : i32
        %add3A = arith.constant 0 : i32
        %add3A_24 = arith.addi %mul3A_23, %add3A : i32
        %mul3A_25 = arith.constant 16 : i32
        %mul3A_26 = arith.muli %add3A_24, %mul3A_25 : i32
        %add3A_27 = arith.addi %arg1, %mul3A_26 : i32
        %mul3A_28 = arith.constant 128 : i32
        %mul3A_29 = arith.muli %add3A_27, %mul3A_28 : i32
        %dma_start3A = tpu.memref_slice %arg2[%mul3A_29] : memref<323584xi32, #tpu.memory_space<hbm>> -> memref<128xi32, #tpu.memory_space<hbm>>
        %dma_start3A_30 = tpu.memref_slice %arg2[%mul3A_29] : memref<323584xi32, #tpu.memory_space<hbm>> -> memref<128xi32, #tpu.memory_space<hbm>>
        tpu.enqueue_dma source(%dma_start3A_30 : memref<128xi32, #tpu.memory_space<hbm>>) target(%arg8 : memref<128xi32, #tpu.memory_space<vmem>>) target_semaphore(%arg13 : memref<!tpu.dma_semaphore, #tpu.memory_space<semaphore_mem>>)
        %dma_start3A_31 = arith.constant 0 : i32
        %dma_start3A_32 = tpu.memref_slice %arg4[%mul3A_29, %dma_start3A_31] : memref<323584x128xf32, #tpu.memory_space<hbm>> -> memref<128x128xf32, #tpu.memory_space<hbm>>
        %dma_start3A_33 = arith.constant 0 : i32
        %dma_start3A_34 = tpu.memref_slice %arg4[%mul3A_29, %dma_start3A_33] : memref<323584x128xf32, #tpu.memory_space<hbm>> -> memref<128x128xf32, #tpu.memory_space<hbm>>
        tpu.enqueue_dma source(%dma_start3A_34 : memref<128x128xf32, #tpu.memory_space<hbm>>) target(%arg10 : memref<128x128xf32, #tpu.memory_space<vmem>>) target_semaphore(%arg15 : memref<!tpu.dma_semaphore, #tpu.memory_space<semaphore_mem>>)
        %mul3A_35 = arith.constant 2 : i32
        %mul3A_36 = arith.muli %scan3A_22, %mul3A_35 : i32
        %add3A_37 = arith.constant 1 : i32
        %add3A_38 = arith.addi %mul3A_36, %add3A_37 : i32
        %mul3A_39 = arith.constant 16 : i32
        %mul3A_40 = arith.muli %add3A_38, %mul3A_39 : i32
        %add3A_41 = arith.addi %arg1, %mul3A_40 : i32
        %mul3A_42 = arith.constant 128 : i32
        %mul3A_43 = arith.muli %add3A_41, %mul3A_42 : i32
        %dma_start3A_44 = tpu.memref_slice %arg2[%mul3A_43] : memref<323584xi32, #tpu.memory_space<hbm>> -> memref<128xi32, #tpu.memory_space<hbm>>
        %dma_start3A_45 = tpu.memref_slice %arg2[%mul3A_43] : memref<323584xi32, #tpu.memory_space<hbm>> -> memref<128xi32, #tpu.memory_space<hbm>>
        tpu.enqueue_dma source(%dma_start3A_45 : memref<128xi32, #tpu.memory_space<hbm>>) target(%arg9 : memref<128xi32, #tpu.memory_space<vmem>>) target_semaphore(%arg14 : memref<!tpu.dma_semaphore, #tpu.memory_space<semaphore_mem>>)
        %dma_start3A_46 = arith.constant 0 : i32
        %dma_start3A_47 = tpu.memref_slice %arg4[%mul3A_43, %dma_start3A_46] : memref<323584x128xf32, #tpu.memory_space<hbm>> -> memref<128x128xf32, #tpu.memory_space<hbm>>
        %dma_start3A_48 = arith.constant 0 : i32
        %dma_start3A_49 = tpu.memref_slice %arg4[%mul3A_43, %dma_start3A_48] : memref<323584x128xf32, #tpu.memory_space<hbm>> -> memref<128x128xf32, #tpu.memory_space<hbm>>
        tpu.enqueue_dma source(%dma_start3A_49 : memref<128x128xf32, #tpu.memory_space<hbm>>) target(%arg11 : memref<128x128xf32, #tpu.memory_space<vmem>>) target_semaphore(%arg16 : memref<!tpu.dma_semaphore, #tpu.memory_space<semaphore_mem>>)
        %dma_wait3A = tpu.memref_slice %arg2[%mul3A_29] : memref<323584xi32, #tpu.memory_space<hbm>> -> memref<128xi32, #tpu.memory_space<hbm>>
        %dma_wait3A_50 = tpu.memref_slice %arg2[%mul3A_29] : memref<323584xi32, #tpu.memory_space<hbm>> -> memref<128xi32, #tpu.memory_space<hbm>>
        tpu.wait_dma2 semaphore(%arg13 : memref<!tpu.dma_semaphore, #tpu.memory_space<semaphore_mem>>) src(%dma_wait3A_50 : memref<128xi32, #tpu.memory_space<hbm>>) dst(%arg8 : memref<128xi32, #tpu.memory_space<vmem>>)
        %dma_wait3A_51 = arith.constant 0 : i32
        %dma_wait3A_52 = tpu.memref_slice %arg4[%mul3A_29, %dma_wait3A_51] : memref<323584x128xf32, #tpu.memory_space<hbm>> -> memref<128x128xf32, #tpu.memory_space<hbm>>
        %dma_wait3A_53 = arith.constant 0 : i32
        %dma_wait3A_54 = tpu.memref_slice %arg4[%mul3A_29, %dma_wait3A_53] : memref<323584x128xf32, #tpu.memory_space<hbm>> -> memref<128x128xf32, #tpu.memory_space<hbm>>
        tpu.wait_dma2 semaphore(%arg15 : memref<!tpu.dma_semaphore, #tpu.memory_space<semaphore_mem>>) src(%dma_wait3A_54 : memref<128x128xf32, #tpu.memory_space<hbm>>) dst(%arg10 : memref<128x128xf32, #tpu.memory_space<vmem>>)
        %dma_start3A_55 = arith.constant 0 : i32
        %dma_start3A_56 = arith.constant 0 : i32
        %dma_start3A_57 = tpu.memref_slice %arg12[%dma_start3A_55, %dma_start3A_56] : memref<10008x128xf32, #tpu.memory_space<vmem_shared>> -> memref<10008x128xf32, #tpu.memory_space<vmem_shared>>
        tpu.enqueue_indirect_dma source(%arg10 : memref<128x128xf32, #tpu.memory_space<vmem>>) target(%dma_start3A_57 : memref<10008x128xf32, #tpu.memory_space<vmem_shared>>) offsets(%arg8 : memref<128xi32, #tpu.memory_space<vmem>>) semaphore(%arg17 : memref<!tpu.dma_semaphore, #tpu.memory_space<semaphore_mem>>) {add = true}
        %dma_wait3A_58 = tpu.memref_slice %arg2[%mul3A_43] : memref<323584xi32, #tpu.memory_space<hbm>> -> memref<128xi32, #tpu.memory_space<hbm>>
        %dma_wait3A_59 = tpu.memref_slice %arg2[%mul3A_43] : memref<323584xi32, #tpu.memory_space<hbm>> -> memref<128xi32, #tpu.memory_space<hbm>>
        tpu.wait_dma2 semaphore(%arg14 : memref<!tpu.dma_semaphore, #tpu.memory_space<semaphore_mem>>) src(%dma_wait3A_59 : memref<128xi32, #tpu.memory_space<hbm>>) dst(%arg9 : memref<128xi32, #tpu.memory_space<vmem>>)
        %dma_wait3A_60 = arith.constant 0 : i32
        %dma_wait3A_61 = tpu.memref_slice %arg4[%mul3A_43, %dma_wait3A_60] : memref<323584x128xf32, #tpu.memory_space<hbm>> -> memref<128x128xf32, #tpu.memory_space<hbm>>
        %dma_wait3A_62 = arith.constant 0 : i32
        %dma_wait3A_63 = tpu.memref_slice %arg4[%mul3A_43, %dma_wait3A_62] : memref<323584x128xf32, #tpu.memory_space<hbm>> -> memref<128x128xf32, #tpu.memory_space<hbm>>
        tpu.wait_dma2 semaphore(%arg16 : memref<!tpu.dma_semaphore, #tpu.memory_space<semaphore_mem>>) src(%dma_wait3A_63 : memref<128x128xf32, #tpu.memory_space<hbm>>) dst(%arg11 : memref<128x128xf32, #tpu.memory_space<vmem>>)
        %dma_start3A_64 = arith.constant 0 : i32
        %dma_start3A_65 = arith.constant 0 : i32
        %dma_start3A_66 = tpu.memref_slice %arg12[%dma_start3A_64, %dma_start3A_65] : memref<10008x128xf32, #tpu.memory_space<vmem_shared>> -> memref<10008x128xf32, #tpu.memory_space<vmem_shared>>
        tpu.enqueue_indirect_dma source(%arg11 : memref<128x128xf32, #tpu.memory_space<vmem>>) target(%dma_start3A_66 : memref<10008x128xf32, #tpu.memory_space<vmem_shared>>) offsets(%arg9 : memref<128xi32, #tpu.memory_space<vmem>>) semaphore(%arg18 : memref<!tpu.dma_semaphore, #tpu.memory_space<semaphore_mem>>) {add = true}
        %dma_wait3A_67 = arith.constant 0 : i32
        %dma_wait3A_68 = arith.constant 0 : i32
        %dma_wait3A_69 = tpu.memref_slice %arg12[%dma_wait3A_67, %dma_wait3A_68] : memref<10008x128xf32, #tpu.memory_space<vmem_shared>> -> memref<10008x128xf32, #tpu.memory_space<vmem_shared>>
        tpu.wait_indirect_dma semaphore(%arg17 : memref<!tpu.dma_semaphore, #tpu.memory_space<semaphore_mem>>) src(%arg10 : memref<128x128xf32, #tpu.memory_space<vmem>>) dst(%dma_wait3A_69 : memref<10008x128xf32, #tpu.memory_space<vmem_shared>>)
        %dma_wait3A_70 = arith.constant 0 : i32
        %dma_wait3A_71 = arith.constant 0 : i32
        %dma_wait3A_72 = tpu.memref_slice %arg12[%dma_wait3A_70, %dma_wait3A_71] : memref<10008x128xf32, #tpu.memory_space<vmem_shared>> -> memref<10008x128xf32, #tpu.memory_space<vmem_shared>>
        tpu.wait_indirect_dma semaphore(%arg18 : memref<!tpu.dma_semaphore, #tpu.memory_space<semaphore_mem>>) src(%arg11 : memref<128x128xf32, #tpu.memory_space<vmem>>) dst(%dma_wait3A_72 : memref<10008x128xf32, #tpu.memory_space<vmem_shared>>)
      }
      %scan3A_21 = arith.constant 79 : i32
    } else {
    }
    %barrier3A_12 = arith.constant 0 : index
    tpu.barrier barrier_id(%barrier3A_12)
    %lt3A = arith.constant 10 : i32
    %lt3A_13 = arith.cmpi slt, %arg1, %lt3A : i32
    %convert_element_type3A_14 = arith.extui %lt3A_13 : i1 to i32
    %cond3A_15 = arith.constant 0 : i32
    %cond3A_16 = arith.cmpi ne, %convert_element_type3A_14, %cond3A_15 : i32
    scf.if %cond3A_16 {
      %mul3A = arith.constant 1000 : i32
      %mul3A_17 = arith.muli %arg1, %mul3A : i32
      %eq3A_18 = arith.constant 0 : i32
      %eq3A_19 = arith.cmpi eq, %arg0, %eq3A_18 : i32
      %convert_element_type3A_20 = arith.extui %eq3A_19 : i1 to i32
      %cond3A_21 = arith.constant 0 : i32
      %cond3A_22 = arith.cmpi ne, %convert_element_type3A_20, %cond3A_21 : i32
      scf.if %cond3A_22 {
        "tpu.region"() ({
          %run_scoped3A = tpu.sem_alloc : memref<!tpu.dma_semaphore, #tpu.memory_space<semaphore_mem>>
          %dma_start3A = arith.constant 0 : i32
          %dma_start3A_28 = tpu.memref_slice %arg6[%mul3A_17, %dma_start3A] : memref<10000x128xf32, #tpu.memory_space<hbm>> -> memref<1000x128xf32, #tpu.memory_space<hbm>>
          %dma_start3A_29 = arith.constant 0 : i32
          %dma_start3A_30 = tpu.memref_slice %arg12[%mul3A_17, %dma_start3A_29] : memref<10008x128xf32, #tpu.memory_space<vmem_shared>> -> memref<1000x128xf32, #tpu.memory_space<vmem_shared>>
          tpu.enqueue_dma source(%dma_start3A_30 : memref<1000x128xf32, #tpu.memory_space<vmem_shared>>) target(%dma_start3A_28 : memref<1000x128xf32, #tpu.memory_space<hbm>>) target_semaphore(%run_scoped3A : memref<!tpu.dma_semaphore, #tpu.memory_space<semaphore_mem>>)
          %dma_wait3A = arith.constant 0 : i32
          %dma_wait3A_31 = tpu.memref_slice %arg6[%mul3A_17, %dma_wait3A] : memref<10000x128xf32, #tpu.memory_space<hbm>> -> memref<1000x128xf32, #tpu.memory_space<hbm>>
          %dma_wait3A_32 = arith.constant 0 : i32
          %dma_wait3A_33 = tpu.memref_slice %arg12[%mul3A_17, %dma_wait3A_32] : memref<10008x128xf32, #tpu.memory_space<vmem_shared>> -> memref<1000x128xf32, #tpu.memory_space<vmem_shared>>
          tpu.wait_dma2 semaphore(%run_scoped3A : memref<!tpu.dma_semaphore, #tpu.memory_space<semaphore_mem>>) src(%dma_wait3A_33 : memref<1000x128xf32, #tpu.memory_space<vmem_shared>>) dst(%dma_wait3A_31 : memref<1000x128xf32, #tpu.memory_space<hbm>>)
          tpu.yield
        }) : () -> ()
      } else {
      }
      %eq3A_23 = arith.constant 1 : i32
      %eq3A_24 = arith.cmpi eq, %arg0, %eq3A_23 : i32
      %convert_element_type3A_25 = arith.extui %eq3A_24 : i1 to i32
      %cond3A_26 = arith.constant 0 : i32
      %cond3A_27 = arith.cmpi ne, %convert_element_type3A_25, %cond3A_26 : i32
      scf.if %cond3A_27 {
        "tpu.region"() ({
          %run_scoped3A = tpu.sem_alloc : memref<!tpu.dma_semaphore, #tpu.memory_space<semaphore_mem>>
          %dma_start3A = arith.constant 0 : i32
          %dma_start3A_28 = tpu.memref_slice %arg7[%mul3A_17, %dma_start3A] : memref<10000x128xf32, #tpu.memory_space<hbm>> -> memref<1000x128xf32, #tpu.memory_space<hbm>>
          %dma_start3A_29 = arith.constant 0 : i32
          %dma_start3A_30 = tpu.memref_slice %arg12[%mul3A_17, %dma_start3A_29] : memref<10008x128xf32, #tpu.memory_space<vmem_shared>> -> memref<1000x128xf32, #tpu.memory_space<vmem_shared>>
          tpu.enqueue_dma source(%dma_start3A_30 : memref<1000x128xf32, #tpu.memory_space<vmem_shared>>) target(%dma_start3A_28 : memref<1000x128xf32, #tpu.memory_space<hbm>>) target_semaphore(%run_scoped3A : memref<!tpu.dma_semaphore, #tpu.memory_space<semaphore_mem>>)
          %dma_wait3A = arith.constant 0 : i32
          %dma_wait3A_31 = tpu.memref_slice %arg7[%mul3A_17, %dma_wait3A] : memref<10000x128xf32, #tpu.memory_space<hbm>> -> memref<1000x128xf32, #tpu.memory_space<hbm>>
          %dma_wait3A_32 = arith.constant 0 : i32
          %dma_wait3A_33 = tpu.memref_slice %arg12[%mul3A_17, %dma_wait3A_32] : memref<10008x128xf32, #tpu.memory_space<vmem_shared>> -> memref<1000x128xf32, #tpu.memory_space<vmem_shared>>
          tpu.wait_dma2 semaphore(%run_scoped3A : memref<!tpu.dma_semaphore, #tpu.memory_space<semaphore_mem>>) src(%dma_wait3A_33 : memref<1000x128xf32, #tpu.memory_space<vmem_shared>>) dst(%dma_wait3A_31 : memref<1000x128xf32, #tpu.memory_space<hbm>>)
          tpu.yield
        }) : () -> ()
      } else {
      }
    } else {
    }
    return
  }
}

module attributes {stable_mosaic.version = 14 : i64} {
  func.func @_tables_body(%arg0: i32, %arg1: memref<2000x2xf32, #tpu.memory_space<vmem>>, %arg2: memref<2000x128xf32, #tpu.memory_space<vmem>>, %arg3: memref<2000x128xf32, #tpu.memory_space<vmem>>, %arg4: memref<2000x2xf32, #tpu.memory_space<vmem>>, %arg5: memref<2000x128xf32, #tpu.memory_space<vmem>>, %arg6: memref<2x384xf32, #tpu.memory_space<vmem>>, %arg7: memref<128x384xf32, #tpu.memory_space<vmem>>, %arg8: memref<128x384xf32, #tpu.memory_space<vmem>>, %arg9: memref<1x384xf32, #tpu.memory_space<vmem>>, %arg10: memref<2x128xf32, #tpu.memory_space<vmem>>, %arg11: memref<128x128xf32, #tpu.memory_space<vmem>>, %arg12: memref<2000x128xf32, #tpu.memory_space<vmem>>, %arg13: memref<2000x128xf32, #tpu.memory_space<vmem>>, %arg14: memref<2000x128xf32, #tpu.memory_space<vmem>>, %arg15: memref<2000x128xf32, #tpu.memory_space<vmem>>) attributes {dimension_semantics = [#tpu.dimension_semantics<arbitrary>], iteration_bounds = array<i64: 5>, scalar_prefetch = 0 : i64, scratch_operands = 0 : i64, tpu.core_type = #tpu.core_type<tc>, window_params = [{transform_indices = @transform_0, window_bounds = array<i64: 2000, 2>}, {transform_indices = @transform_1, window_bounds = array<i64: 2000, 128>}, {transform_indices = @transform_2, window_bounds = array<i64: 2000, 128>}, {transform_indices = @transform_3, window_bounds = array<i64: 2000, 2>}, {transform_indices = @transform_4, window_bounds = array<i64: 2000, 128>}, {pipeline_mode = #tpu.pipeline_mode<synchronous>, transform_indices = @transform_5, window_bounds = array<i64: 2, 384>}, {pipeline_mode = #tpu.pipeline_mode<synchronous>, transform_indices = @transform_6, window_bounds = array<i64: 128, 384>}, {pipeline_mode = #tpu.pipeline_mode<synchronous>, transform_indices = @transform_7, window_bounds = array<i64: 128, 384>}, {pipeline_mode = #tpu.pipeline_mode<synchronous>, transform_indices = @transform_8, window_bounds = array<i64: 1, 384>}, {pipeline_mode = #tpu.pipeline_mode<synchronous>, transform_indices = @transform_9, window_bounds = array<i64: 2, 128>}, {pipeline_mode = #tpu.pipeline_mode<synchronous>, transform_indices = @transform_10, window_bounds = array<i64: 128, 128>}, {transform_indices = @transform_11, window_bounds = array<i64: 2000, 128>}, {transform_indices = @transform_12, window_bounds = array<i64: 2000, 128>}, {transform_indices = @transform_13, window_bounds = array<i64: 2000, 128>}, {transform_indices = @transform_14, window_bounds = array<i64: 2000, 128>}]} {
    %get3A = arith.constant 0 : index
    %get3A_0 = arith.constant 0 : index
    %get3A_1 = vector.load %arg1[%get3A, %get3A_0] : memref<2000x2xf32, #tpu.memory_space<vmem>>, vector<2000x2xf32>
    %get3A_2 = arith.constant 0 : index
    %get3A_3 = arith.constant 0 : index
    %get3A_4 = vector.load %arg6[%get3A_2, %get3A_3] : memref<2x384xf32, #tpu.memory_space<vmem>>, vector<2x384xf32>
    %slice3A = vector.extract_strided_slice %get3A_1 {offsets = [0, 0], sizes = [2000, 1], strides = [1, 1]} : vector<2000x2xf32> to vector<2000x1xf32>
    %slice3A_5 = vector.extract_strided_slice %get3A_4 {offsets = [0, 0], sizes = [1, 384], strides = [1, 1]} : vector<2x384xf32> to vector<1x384xf32>
    %mul3A = vector.broadcast %slice3A : vector<2000x1xf32> to vector<2000x384xf32>
    %mul3A_6 = vector.broadcast %slice3A_5 : vector<1x384xf32> to vector<2000x384xf32>
    %mul3A_7 = arith.mulf %mul3A, %mul3A_6 : vector<2000x384xf32>
    %slice3A_8 = vector.extract_strided_slice %get3A_1 {offsets = [0, 1], sizes = [2000, 1], strides = [1, 1]} : vector<2000x2xf32> to vector<2000x1xf32>
    %slice3A_9 = vector.extract_strided_slice %get3A_4 {offsets = [1, 0], sizes = [1, 384], strides = [1, 1]} : vector<2x384xf32> to vector<1x384xf32>
    %mul3A_10 = vector.broadcast %slice3A_8 : vector<2000x1xf32> to vector<2000x384xf32>
    %mul3A_11 = vector.broadcast %slice3A_9 : vector<1x384xf32> to vector<2000x384xf32>
    %mul3A_12 = arith.mulf %mul3A_10, %mul3A_11 : vector<2000x384xf32>
    %add3A = arith.addf %mul3A_7, %mul3A_12 : vector<2000x384xf32>
    %get3A_13 = arith.constant 0 : index
    %get3A_14 = arith.constant 0 : index
    %get3A_15 = vector.load %arg2[%get3A_13, %get3A_14] : memref<2000x128xf32, #tpu.memory_space<vmem>>, vector<2000x128xf32>
    %get3A_16 = arith.constant 0 : index
    %get3A_17 = arith.constant 0 : index
    %get3A_18 = vector.load %arg7[%get3A_16, %get3A_17] : memref<128x384xf32, #tpu.memory_space<vmem>>, vector<128x384xf32>
    %dot_general3A = arith.constant dense<0.000000e+00> : vector<2000x384xf32>
    %dot_general3A_19 = tpu.matmul %get3A_15, %get3A_18, %dot_general3A {dimension_numbers = #tpu.dot_dimension_numbers<[1], [0], [0], [1], [0, 0, 1, 1], [], []>, transpose_lhs_hint = false} : vector<2000x128xf32>, vector<128x384xf32>, vector<2000x384xf32> -> vector<2000x384xf32>
    %add3A_20 = arith.addf %add3A, %dot_general3A_19 : vector<2000x384xf32>
    %get3A_21 = arith.constant 0 : index
    %get3A_22 = arith.constant 0 : index
    %get3A_23 = vector.load %arg3[%get3A_21, %get3A_22] : memref<2000x128xf32, #tpu.memory_space<vmem>>, vector<2000x128xf32>
    %get3A_24 = arith.constant 0 : index
    %get3A_25 = arith.constant 0 : index
    %get3A_26 = vector.load %arg8[%get3A_24, %get3A_25] : memref<128x384xf32, #tpu.memory_space<vmem>>, vector<128x384xf32>
    %dot_general3A_27 = arith.constant dense<0.000000e+00> : vector<2000x384xf32>
    %dot_general3A_28 = tpu.matmul %get3A_23, %get3A_26, %dot_general3A_27 {dimension_numbers = #tpu.dot_dimension_numbers<[1], [0], [0], [1], [0, 0, 1, 1], [], []>, transpose_lhs_hint = false} : vector<2000x128xf32>, vector<128x384xf32>, vector<2000x384xf32> -> vector<2000x384xf32>
    %add3A_29 = arith.addf %add3A_20, %dot_general3A_28 : vector<2000x384xf32>
    %get3A_30 = arith.constant 0 : index
    %get3A_31 = arith.constant 0 : index
    %get3A_32 = vector.load %arg9[%get3A_30, %get3A_31] : memref<1x384xf32, #tpu.memory_space<vmem>>, vector<1x384xf32>
    %add3A_33 = vector.broadcast %get3A_32 : vector<1x384xf32> to vector<2000x384xf32>
    %add3A_34 = arith.addf %add3A_29, %add3A_33 : vector<2000x384xf32>
    %slice3A_35 = vector.extract_strided_slice %add3A_34 {offsets = [0, 0], sizes = [2000, 128], strides = [1, 1]} : vector<2000x384xf32> to vector<2000x128xf32>
    %swap3A = arith.constant 0 : index
    %swap3A_36 = arith.constant 0 : index
    %swap3A_37 = vector.load %arg12[%swap3A, %swap3A_36] : memref<2000x128xf32, #tpu.memory_space<vmem>>, vector<2000x128xf32>
    tpu.vector_store %arg12[%swap3A, %swap3A_36], %slice3A_35 {strides = array<i32>} : memref<2000x128xf32, #tpu.memory_space<vmem>>, vector<2000x128xf32>,
    %slice3A_38 = vector.extract_strided_slice %add3A_34 {offsets = [0, 128], sizes = [2000, 128], strides = [1, 1]} : vector<2000x384xf32> to vector<2000x128xf32>
    %swap3A_39 = arith.constant 0 : index
    %swap3A_40 = arith.constant 0 : index
    %swap3A_41 = vector.load %arg13[%swap3A_39, %swap3A_40] : memref<2000x128xf32, #tpu.memory_space<vmem>>, vector<2000x128xf32>
    tpu.vector_store %arg13[%swap3A_39, %swap3A_40], %slice3A_38 {strides = array<i32>} : memref<2000x128xf32, #tpu.memory_space<vmem>>, vector<2000x128xf32>,
    %slice3A_42 = vector.extract_strided_slice %add3A_34 {offsets = [0, 256], sizes = [2000, 128], strides = [1, 1]} : vector<2000x384xf32> to vector<2000x128xf32>
    %swap3A_43 = arith.constant 0 : index
    %swap3A_44 = arith.constant 0 : index
    %swap3A_45 = vector.load %arg14[%swap3A_43, %swap3A_44] : memref<2000x128xf32, #tpu.memory_space<vmem>>, vector<2000x128xf32>
    tpu.vector_store %arg14[%swap3A_43, %swap3A_44], %slice3A_42 {strides = array<i32>} : memref<2000x128xf32, #tpu.memory_space<vmem>>, vector<2000x128xf32>,
    %get3A_46 = arith.constant 0 : index
    %get3A_47 = arith.constant 0 : index
    %get3A_48 = vector.load %arg4[%get3A_46, %get3A_47] : memref<2000x2xf32, #tpu.memory_space<vmem>>, vector<2000x2xf32>
    %get3A_49 = arith.constant 0 : index
    %get3A_50 = arith.constant 0 : index
    %get3A_51 = vector.load %arg10[%get3A_49, %get3A_50] : memref<2x128xf32, #tpu.memory_space<vmem>>, vector<2x128xf32>
    %slice3A_52 = vector.extract_strided_slice %get3A_48 {offsets = [0, 0], sizes = [2000, 1], strides = [1, 1]} : vector<2000x2xf32> to vector<2000x1xf32>
    %slice3A_53 = vector.extract_strided_slice %get3A_51 {offsets = [0, 0], sizes = [1, 128], strides = [1, 1]} : vector<2x128xf32> to vector<1x128xf32>
    %mul3A_54 = vector.broadcast %slice3A_52 : vector<2000x1xf32> to vector<2000x128xf32>
    %mul3A_55 = vector.broadcast %slice3A_53 : vector<1x128xf32> to vector<2000x128xf32>
    %mul3A_56 = arith.mulf %mul3A_54, %mul3A_55 : vector<2000x128xf32>
    %slice3A_57 = vector.extract_strided_slice %get3A_48 {offsets = [0, 1], sizes = [2000, 1], strides = [1, 1]} : vector<2000x2xf32> to vector<2000x1xf32>
    %slice3A_58 = vector.extract_strided_slice %get3A_51 {offsets = [1, 0], sizes = [1, 128], strides = [1, 1]} : vector<2x128xf32> to vector<1x128xf32>
    %mul3A_59 = vector.broadcast %slice3A_57 : vector<2000x1xf32> to vector<2000x128xf32>
    %mul3A_60 = vector.broadcast %slice3A_58 : vector<1x128xf32> to vector<2000x128xf32>
    %mul3A_61 = arith.mulf %mul3A_59, %mul3A_60 : vector<2000x128xf32>
    %add3A_62 = arith.addf %mul3A_56, %mul3A_61 : vector<2000x128xf32>
    %get3A_63 = arith.constant 0 : index
    %get3A_64 = arith.constant 0 : index
    %get3A_65 = vector.load %arg5[%get3A_63, %get3A_64] : memref<2000x128xf32, #tpu.memory_space<vmem>>, vector<2000x128xf32>
    %get3A_66 = arith.constant 0 : index
    %get3A_67 = arith.constant 0 : index
    %get3A_68 = vector.load %arg11[%get3A_66, %get3A_67] : memref<128x128xf32, #tpu.memory_space<vmem>>, vector<128x128xf32>
    %dot_general3A_69 = arith.constant dense<0.000000e+00> : vector<2000x128xf32>
    %dot_general3A_70 = tpu.matmul %get3A_65, %get3A_68, %dot_general3A_69 {dimension_numbers = #tpu.dot_dimension_numbers<[1], [0], [0], [1], [0, 0, 1, 1], [], []>, transpose_lhs_hint = false} : vector<2000x128xf32>, vector<128x128xf32>, vector<2000x128xf32> -> vector<2000x128xf32>
    %add3A_71 = arith.addf %add3A_62, %dot_general3A_70 : vector<2000x128xf32>
    %swap3A_72 = arith.constant 0 : index
    %swap3A_73 = arith.constant 0 : index
    %swap3A_74 = vector.load %arg15[%swap3A_72, %swap3A_73] : memref<2000x128xf32, #tpu.memory_space<vmem>>, vector<2000x128xf32>
    tpu.vector_store %arg15[%swap3A_72, %swap3A_73], %add3A_71 {strides = array<i32>} : memref<2000x128xf32, #tpu.memory_space<vmem>>, vector<2000x128xf32>,
    return
  }
  func.func @transform_0(%arg0: i32) -> (i32, i32) {
    %c0_i32 = arith.constant 0 : i32
    %c0_i32_0 = arith.constant 0 : i32
    return %arg0, %c0_i32 : i32, i32
  }
  func.func @transform_1(%arg0: i32) -> (i32, i32) {
    %c0_i32 = arith.constant 0 : i32
    %c0_i32_0 = arith.constant 0 : i32
    return %arg0, %c0_i32 : i32, i32
  }
  func.func @transform_2(%arg0: i32) -> (i32, i32) {
    %c0_i32 = arith.constant 0 : i32
    %c0_i32_0 = arith.constant 0 : i32
    return %arg0, %c0_i32 : i32, i32
  }
  func.func @transform_3(%arg0: i32) -> (i32, i32) {
    %c0_i32 = arith.constant 0 : i32
    %c0_i32_0 = arith.constant 0 : i32
    return %arg0, %c0_i32 : i32, i32
  }
  func.func @transform_4(%arg0: i32) -> (i32, i32) {
    %c0_i32 = arith.constant 0 : i32
    %c0_i32_0 = arith.constant 0 : i32
    return %arg0, %c0_i32 : i32, i32
  }
  func.func @transform_5(%arg0: i32) -> (i32, i32) {
    %c0_i32 = arith.constant 0 : i32
    %c0_i32_0 = arith.constant 0 : i32
    %c0_i32_1 = arith.constant 0 : i32
    return %c0_i32, %c0_i32_0 : i32, i32
  }
  func.func @transform_6(%arg0: i32) -> (i32, i32) {
    %c0_i32 = arith.constant 0 : i32
    %c0_i32_0 = arith.constant 0 : i32
    %c0_i32_1 = arith.constant 0 : i32
    return %c0_i32, %c0_i32_0 : i32, i32
  }
  func.func @transform_7(%arg0: i32) -> (i32, i32) {
    %c0_i32 = arith.constant 0 : i32
    %c0_i32_0 = arith.constant 0 : i32
    %c0_i32_1 = arith.constant 0 : i32
    return %c0_i32, %c0_i32_0 : i32, i32
  }
  func.func @transform_8(%arg0: i32) -> (i32, i32) {
    %c0_i32 = arith.constant 0 : i32
    %c0_i32_0 = arith.constant 0 : i32
    %c0_i32_1 = arith.constant 0 : i32
    return %c0_i32, %c0_i32_0 : i32, i32
  }
  func.func @transform_9(%arg0: i32) -> (i32, i32) {
    %c0_i32 = arith.constant 0 : i32
    %c0_i32_0 = arith.constant 0 : i32
    %c0_i32_1 = arith.constant 0 : i32
    return %c0_i32, %c0_i32_0 : i32, i32
  }
  func.func @transform_10(%arg0: i32) -> (i32, i32) {
    %c0_i32 = arith.constant 0 : i32
    %c0_i32_0 = arith.constant 0 : i32
    %c0_i32_1 = arith.constant 0 : i32
    return %c0_i32, %c0_i32_0 : i32, i32
  }
  func.func @transform_11(%arg0: i32) -> (i32, i32) {
    %c0_i32 = arith.constant 0 : i32
    %c0_i32_0 = arith.constant 0 : i32
    return %arg0, %c0_i32 : i32, i32
  }
  func.func @transform_12(%arg0: i32) -> (i32, i32) {
    %c0_i32 = arith.constant 0 : i32
    %c0_i32_0 = arith.constant 0 : i32
    return %arg0, %c0_i32 : i32, i32
  }
  func.func @transform_13(%arg0: i32) -> (i32, i32) {
    %c0_i32 = arith.constant 0 : i32
    %c0_i32_0 = arith.constant 0 : i32
    return %arg0, %c0_i32 : i32, i32
  }
  func.func @transform_14(%arg0: i32) -> (i32, i32) {
    %c0_i32 = arith.constant 0 : i32
    %c0_i32_0 = arith.constant 0 : i32
    return %arg0, %c0_i32 : i32, i32
  }
}

module attributes {stable_mosaic.version = 14 : i64} {
  func.func @_edge_body(%arg0: i32, %arg1: memref<2560x128xf32, #tpu.memory_space<vmem>>, %arg2: memref<2560x128xf32, #tpu.memory_space<vmem>>, %arg3: memref<2560x1xf32, #tpu.memory_space<vmem>>, %arg4: memref<1x128xf32, #tpu.memory_space<vmem>>, %arg5: memref<128x128xf32, #tpu.memory_space<vmem>>, %arg6: memref<1x128xf32, #tpu.memory_space<vmem>>, %arg7: memref<128x256xf32, #tpu.memory_space<vmem>>, %arg8: memref<1x256xf32, #tpu.memory_space<vmem>>, %arg9: memref<2560x128xf32, #tpu.memory_space<vmem>>, %arg10: memref<2560x128xf32, #tpu.memory_space<vmem>>) attributes {dimension_semantics = [#tpu.dimension_semantics<arbitrary>], iteration_bounds = array<i64: 126>, scalar_prefetch = 0 : i64, scratch_operands = 0 : i64, tpu.core_type = #tpu.core_type<tc>, window_params = [{transform_indices = @transform_0, window_bounds = array<i64: 2560, 128>}, {transform_indices = @transform_1, window_bounds = array<i64: 2560, 128>}, {transform_indices = @transform_2, window_bounds = array<i64: 2560, 1>}, {pipeline_mode = #tpu.pipeline_mode<synchronous>, transform_indices = @transform_3, window_bounds = array<i64: 1, 128>}, {pipeline_mode = #tpu.pipeline_mode<synchronous>, transform_indices = @transform_4, window_bounds = array<i64: 128, 128>}, {pipeline_mode = #tpu.pipeline_mode<synchronous>, transform_indices = @transform_5, window_bounds = array<i64: 1, 128>}, {pipeline_mode = #tpu.pipeline_mode<synchronous>, transform_indices = @transform_6, window_bounds = array<i64: 128, 256>}, {pipeline_mode = #tpu.pipeline_mode<synchronous>, transform_indices = @transform_7, window_bounds = array<i64: 1, 256>}, {transform_indices = @transform_8, window_bounds = array<i64: 2560, 128>}, {transform_indices = @transform_9, window_bounds = array<i64: 2560, 128>}]} {
    %get3A = arith.constant 0 : index
    %get3A_0 = arith.constant 0 : index
    %get3A_1 = vector.load %arg1[%get3A, %get3A_0] : memref<2560x128xf32, #tpu.memory_space<vmem>>, vector<2560x128xf32>
    %get3A_2 = arith.constant 0 : index
    %get3A_3 = arith.constant 0 : index
    %get3A_4 = vector.load %arg2[%get3A_2, %get3A_3] : memref<2560x128xf32, #tpu.memory_space<vmem>>, vector<2560x128xf32>
    %add3A = arith.addf %get3A_1, %get3A_4 : vector<2560x128xf32>
    %get3A_5 = arith.constant 0 : index
    %get3A_6 = arith.constant 0 : index
    %get3A_7 = vector.load %arg3[%get3A_5, %get3A_6] : memref<2560x1xf32, #tpu.memory_space<vmem>>, vector<2560x1xf32>
    %get3A_8 = arith.constant 0 : index
    %get3A_9 = arith.constant 0 : index
    %get3A_10 = vector.load %arg4[%get3A_8, %get3A_9] : memref<1x128xf32, #tpu.memory_space<vmem>>, vector<1x128xf32>
    %mul3A = vector.broadcast %get3A_7 : vector<2560x1xf32> to vector<2560x128xf32>
    %mul3A_11 = vector.broadcast %get3A_10 : vector<1x128xf32> to vector<2560x128xf32>
    %mul3A_12 = arith.mulf %mul3A, %mul3A_11 : vector<2560x128xf32>
    %add3A_13 = arith.addf %add3A, %mul3A_12 : vector<2560x128xf32>
    %tanh3A = math.tanh %add3A_13 : vector<2560x128xf32>
    %get3A_14 = arith.constant 0 : index
    %get3A_15 = arith.constant 0 : index
    %get3A_16 = vector.load %arg5[%get3A_14, %get3A_15] : memref<128x128xf32, #tpu.memory_space<vmem>>, vector<128x128xf32>
    %dot_general3A = arith.constant dense<0.000000e+00> : vector<2560x128xf32>
    %dot_general3A_17 = tpu.matmul %tanh3A, %get3A_16, %dot_general3A {dimension_numbers = #tpu.dot_dimension_numbers<[1], [0], [0], [1], [0, 0, 1, 1], [], []>, transpose_lhs_hint = false} : vector<2560x128xf32>, vector<128x128xf32>, vector<2560x128xf32> -> vector<2560x128xf32>
    %get3A_18 = arith.constant 0 : index
    %get3A_19 = arith.constant 0 : index
    %get3A_20 = vector.load %arg6[%get3A_18, %get3A_19] : memref<1x128xf32, #tpu.memory_space<vmem>>, vector<1x128xf32>
    %add3A_21 = vector.broadcast %get3A_20 : vector<1x128xf32> to vector<2560x128xf32>
    %add3A_22 = arith.addf %dot_general3A_17, %add3A_21 : vector<2560x128xf32>
    %tanh3A_23 = math.tanh %add3A_22 : vector<2560x128xf32>
    %get3A_24 = arith.constant 0 : index
    %get3A_25 = arith.constant 0 : index
    %get3A_26 = vector.load %arg7[%get3A_24, %get3A_25] : memref<128x256xf32, #tpu.memory_space<vmem>>, vector<128x256xf32>
    %dot_general3A_27 = arith.constant dense<0.000000e+00> : vector<2560x256xf32>
    %dot_general3A_28 = tpu.matmul %tanh3A_23, %get3A_26, %dot_general3A_27 {dimension_numbers = #tpu.dot_dimension_numbers<[1], [0], [0], [1], [0, 0, 1, 1], [], []>, transpose_lhs_hint = false} : vector<2560x128xf32>, vector<128x256xf32>, vector<2560x256xf32> -> vector<2560x256xf32>
    %get3A_29 = arith.constant 0 : index
    %get3A_30 = arith.constant 0 : index
    %get3A_31 = vector.load %arg8[%get3A_29, %get3A_30] : memref<1x256xf32, #tpu.memory_space<vmem>>, vector<1x256xf32>
    %add3A_32 = vector.broadcast %get3A_31 : vector<1x256xf32> to vector<2560x256xf32>
    %add3A_33 = arith.addf %dot_general3A_28, %add3A_32 : vector<2560x256xf32>
    %slice3A = vector.extract_strided_slice %add3A_33 {offsets = [0, 0], sizes = [2560, 128], strides = [1, 1]} : vector<2560x256xf32> to vector<2560x128xf32>
    %exp3A = math.exp %slice3A : vector<2560x128xf32>
    %slice3A_34 = vector.extract_strided_slice %add3A_33 {offsets = [0, 128], sizes = [2560, 128], strides = [1, 1]} : vector<2560x256xf32> to vector<2560x128xf32>
    %mul3A_35 = arith.mulf %exp3A, %slice3A_34 : vector<2560x128xf32>
    %swap3A = arith.constant 0 : index
    %swap3A_36 = arith.constant 0 : index
    %swap3A_37 = vector.load %arg9[%swap3A, %swap3A_36] : memref<2560x128xf32, #tpu.memory_space<vmem>>, vector<2560x128xf32>
    tpu.vector_store %arg9[%swap3A, %swap3A_36], %mul3A_35 {strides = array<i32>} : memref<2560x128xf32, #tpu.memory_space<vmem>>, vector<2560x128xf32>,
    %swap3A_38 = arith.constant 0 : index
    %swap3A_39 = arith.constant 0 : index
    %swap3A_40 = vector.load %arg10[%swap3A_38, %swap3A_39] : memref<2560x128xf32, #tpu.memory_space<vmem>>, vector<2560x128xf32>
    tpu.vector_store %arg10[%swap3A_38, %swap3A_39], %exp3A {strides = array<i32>} : memref<2560x128xf32, #tpu.memory_space<vmem>>, vector<2560x128xf32>,
    return
  }
  func.func @transform_0(%arg0: i32) -> (i32, i32) {
    %c0_i32 = arith.constant 0 : i32
    %c0_i32_0 = arith.constant 0 : i32
    return %arg0, %c0_i32 : i32, i32
  }
  func.func @transform_1(%arg0: i32) -> (i32, i32) {
    %c0_i32 = arith.constant 0 : i32
    %c0_i32_0 = arith.constant 0 : i32
    return %arg0, %c0_i32 : i32, i32
  }
  func.func @transform_2(%arg0: i32) -> (i32, i32) {
    %c0_i32 = arith.constant 0 : i32
    %c0_i32_0 = arith.constant 0 : i32
    return %arg0, %c0_i32 : i32, i32
  }
  func.func @transform_3(%arg0: i32) -> (i32, i32) {
    %c0_i32 = arith.constant 0 : i32
    %c0_i32_0 = arith.constant 0 : i32
    %c0_i32_1 = arith.constant 0 : i32
    return %c0_i32, %c0_i32_0 : i32, i32
  }
  func.func @transform_4(%arg0: i32) -> (i32, i32) {
    %c0_i32 = arith.constant 0 : i32
    %c0_i32_0 = arith.constant 0 : i32
    %c0_i32_1 = arith.constant 0 : i32
    return %c0_i32, %c0_i32_0 : i32, i32
  }
  func.func @transform_5(%arg0: i32) -> (i32, i32) {
    %c0_i32 = arith.constant 0 : i32
    %c0_i32_0 = arith.constant 0 : i32
    %c0_i32_1 = arith.constant 0 : i32
    return %c0_i32, %c0_i32_0 : i32, i32
  }
  func.func @transform_6(%arg0: i32) -> (i32, i32) {
    %c0_i32 = arith.constant 0 : i32
    %c0_i32_0 = arith.constant 0 : i32
    %c0_i32_1 = arith.constant 0 : i32
    return %c0_i32, %c0_i32_0 : i32, i32
  }
  func.func @transform_7(%arg0: i32) -> (i32, i32) {
    %c0_i32 = arith.constant 0 : i32
    %c0_i32_0 = arith.constant 0 : i32
    %c0_i32_1 = arith.constant 0 : i32
    return %c0_i32, %c0_i32_0 : i32, i32
  }
  func.func @transform_8(%arg0: i32) -> (i32, i32) {
    %c0_i32 = arith.constant 0 : i32
    %c0_i32_0 = arith.constant 0 : i32
    return %arg0, %c0_i32 : i32, i32
  }
  func.func @transform_9(%arg0: i32) -> (i32, i32) {
    %c0_i32 = arith.constant 0 : i32
    %c0_i32_0 = arith.constant 0 : i32
    return %arg0, %c0_i32 : i32, i32
  }
}

module attributes {stable_mosaic.version = 14 : i64} {
  func.func @_final_body(%arg0: i32, %arg1: memref<2000x2xf32, #tpu.memory_space<vmem>>, %arg2: memref<2000x128xf32, #tpu.memory_space<vmem>>, %arg3: memref<2000x128xf32, #tpu.memory_space<vmem>>, %arg4: memref<2000x128xf32, #tpu.memory_space<vmem>>, %arg5: memref<2000x128xf32, #tpu.memory_space<vmem>>, %arg6: memref<2000x128xf32, #tpu.memory_space<vmem>>, %arg7: memref<2000x128xf32, #tpu.memory_space<vmem>>, %arg8: memref<2x64xf32, #tpu.memory_space<vmem>>, %arg9: memref<128x64xf32, #tpu.memory_space<vmem>>, %arg10: memref<128x64xf32, #tpu.memory_space<vmem>>, %arg11: memref<128x64xf32, #tpu.memory_space<vmem>>, %arg12: memref<128x64xf32, #tpu.memory_space<vmem>>, %arg13: memref<1x64xf32, #tpu.memory_space<vmem>>, %arg14: memref<64x64xf32, #tpu.memory_space<vmem>>, %arg15: memref<1x64xf32, #tpu.memory_space<vmem>>, %arg16: memref<64x128xf32, #tpu.memory_space<vmem>>, %arg17: memref<1x128xf32, #tpu.memory_space<vmem>>, %arg18: memref<2000x128xf32, #tpu.memory_space<vmem>>) attributes {dimension_semantics = [#tpu.dimension_semantics<arbitrary>], iteration_bounds = array<i64: 5>, scalar_prefetch = 0 : i64, scratch_operands = 0 : i64, tpu.core_type = #tpu.core_type<tc>, window_params = [{transform_indices = @transform_0, window_bounds = array<i64: 2000, 2>}, {transform_indices = @transform_1, window_bounds = array<i64: 2000, 128>}, {transform_indices = @transform_2, window_bounds = array<i64: 2000, 128>}, {transform_indices = @transform_3, window_bounds = array<i64: 2000, 128>}, {transform_indices = @transform_4, window_bounds = array<i64: 2000, 128>}, {transform_indices = @transform_5, window_bounds = array<i64: 2000, 128>}, {transform_indices = @transform_6, window_bounds = array<i64: 2000, 128>}, {pipeline_mode = #tpu.pipeline_mode<synchronous>, transform_indices = @transform_7, window_bounds = array<i64: 2, 64>}, {pipeline_mode = #tpu.pipeline_mode<synchronous>, transform_indices = @transform_8, window_bounds = array<i64: 128, 64>}, {pipeline_mode = #tpu.pipeline_mode<synchronous>, transform_indices = @transform_9, window_bounds = array<i64: 128, 64>}, {pipeline_mode = #tpu.pipeline_mode<synchronous>, transform_indices = @transform_10, window_bounds = array<i64: 128, 64>}, {pipeline_mode = #tpu.pipeline_mode<synchronous>, transform_indices = @transform_11, window_bounds = array<i64: 128, 64>}, {pipeline_mode = #tpu.pipeline_mode<synchronous>, transform_indices = @transform_12, window_bounds = array<i64: 1, 64>}, {pipeline_mode = #tpu.pipeline_mode<synchronous>, transform_indices = @transform_13, window_bounds = array<i64: 64, 64>}, {pipeline_mode = #tpu.pipeline_mode<synchronous>, transform_indices = @transform_14, window_bounds = array<i64: 1, 64>}, {pipeline_mode = #tpu.pipeline_mode<synchronous>, transform_indices = @transform_15, window_bounds = array<i64: 64, 128>}, {pipeline_mode = #tpu.pipeline_mode<synchronous>, transform_indices = @transform_16, window_bounds = array<i64: 1, 128>}, {transform_indices = @transform_17, window_bounds = array<i64: 2000, 128>}]} {
    %get3A = arith.constant 0 : index
    %get3A_0 = arith.constant 0 : index
    %get3A_1 = vector.load %arg5[%get3A, %get3A_0] : memref<2000x128xf32, #tpu.memory_space<vmem>>, vector<2000x128xf32>
    %get3A_2 = arith.constant 0 : index
    %get3A_3 = arith.constant 0 : index
    %get3A_4 = vector.load %arg7[%get3A_2, %get3A_3] : memref<2000x128xf32, #tpu.memory_space<vmem>>, vector<2000x128xf32>
    %ne3A = arith.constant 0.000000e+00 : f32
    %ne3A_5 = vector.broadcast %ne3A : f32 to vector<2000x128xf32>
    %ne3A_6 = arith.cmpf one, %get3A_1, %ne3A_5 : vector<2000x128xf32>
    %get3A_7 = arith.constant 0 : index
    %get3A_8 = arith.constant 0 : index
    %get3A_9 = vector.load %arg4[%get3A_7, %get3A_8] : memref<2000x128xf32, #tpu.memory_space<vmem>>, vector<2000x128xf32>
    %div3A = arith.divf %get3A_9, %get3A_1 : vector<2000x128xf32>
    %jit3A = arith.constant 0.000000e+00 : f32
    %broadcast_in_dim3A = vector.broadcast %jit3A : f32 to vector<2000x128xf32>
    %select_n3A = arith.select %ne3A_6, %div3A, %broadcast_in_dim3A : vector<2000x128xi1>, vector<2000x128xf32>
    %ne3A_10 = arith.constant 0.000000e+00 : f32
    %ne3A_11 = vector.broadcast %ne3A_10 : f32 to vector<2000x128xf32>
    %ne3A_12 = arith.cmpf one, %get3A_4, %ne3A_11 : vector<2000x128xf32>
    %get3A_13 = arith.constant 0 : index
    %get3A_14 = arith.constant 0 : index
    %get3A_15 = vector.load %arg6[%get3A_13, %get3A_14] : memref<2000x128xf32, #tpu.memory_space<vmem>>, vector<2000x128xf32>
    %div3A_16 = arith.divf %get3A_15, %get3A_4 : vector<2000x128xf32>
    %jit3A_17 = arith.constant 0.000000e+00 : f32
    %broadcast_in_dim3A_18 = vector.broadcast %jit3A_17 : f32 to vector<2000x128xf32>
    %select_n3A_19 = arith.select %ne3A_12, %div3A_16, %broadcast_in_dim3A_18 : vector<2000x128xi1>, vector<2000x128xf32>
    %get3A_20 = arith.constant 0 : index
    %get3A_21 = arith.constant 0 : index
    %get3A_22 = vector.load %arg1[%get3A_20, %get3A_21] : memref<2000x2xf32, #tpu.memory_space<vmem>>, vector<2000x2xf32>
    %get3A_23 = arith.constant 0 : index
    %get3A_24 = arith.constant 0 : index
    %get3A_25 = vector.load %arg8[%get3A_23, %get3A_24] : memref<2x64xf32, #tpu.memory_space<vmem>>, vector<2x64xf32>
    %slice3A = vector.extract_strided_slice %get3A_22 {offsets = [0, 0], sizes = [2000, 1], strides = [1, 1]} : vector<2000x2xf32> to vector<2000x1xf32>
    %slice3A_26 = vector.extract_strided_slice %get3A_25 {offsets = [0, 0], sizes = [1, 64], strides = [1, 1]} : vector<2x64xf32> to vector<1x64xf32>
    %mul3A = vector.broadcast %slice3A : vector<2000x1xf32> to vector<2000x64xf32>
    %mul3A_27 = vector.broadcast %slice3A_26 : vector<1x64xf32> to vector<2000x64xf32>
    %mul3A_28 = arith.mulf %mul3A, %mul3A_27 : vector<2000x64xf32>
    %slice3A_29 = vector.extract_strided_slice %get3A_22 {offsets = [0, 1], sizes = [2000, 1], strides = [1, 1]} : vector<2000x2xf32> to vector<2000x1xf32>
    %slice3A_30 = vector.extract_strided_slice %get3A_25 {offsets = [1, 0], sizes = [1, 64], strides = [1, 1]} : vector<2x64xf32> to vector<1x64xf32>
    %mul3A_31 = vector.broadcast %slice3A_29 : vector<2000x1xf32> to vector<2000x64xf32>
    %mul3A_32 = vector.broadcast %slice3A_30 : vector<1x64xf32> to vector<2000x64xf32>
    %mul3A_33 = arith.mulf %mul3A_31, %mul3A_32 : vector<2000x64xf32>
    %add3A = arith.addf %mul3A_28, %mul3A_33 : vector<2000x64xf32>
    %get3A_34 = arith.constant 0 : index
    %get3A_35 = arith.constant 0 : index
    %get3A_36 = vector.load %arg2[%get3A_34, %get3A_35] : memref<2000x128xf32, #tpu.memory_space<vmem>>, vector<2000x128xf32>
    %get3A_37 = arith.constant 0 : index
    %get3A_38 = arith.constant 0 : index
    %get3A_39 = vector.load %arg9[%get3A_37, %get3A_38] : memref<128x64xf32, #tpu.memory_space<vmem>>, vector<128x64xf32>
    %dot_general3A = arith.constant dense<0.000000e+00> : vector<2000x64xf32>
    %dot_general3A_40 = tpu.matmul %get3A_36, %get3A_39, %dot_general3A {dimension_numbers = #tpu.dot_dimension_numbers<[1], [0], [0], [1], [0, 0, 1, 1], [], []>, transpose_lhs_hint = false} : vector<2000x128xf32>, vector<128x64xf32>, vector<2000x64xf32> -> vector<2000x64xf32>
    %add3A_41 = arith.addf %add3A, %dot_general3A_40 : vector<2000x64xf32>
    %get3A_42 = arith.constant 0 : index
    %get3A_43 = arith.constant 0 : index
    %get3A_44 = vector.load %arg10[%get3A_42, %get3A_43] : memref<128x64xf32, #tpu.memory_space<vmem>>, vector<128x64xf32>
    %dot_general3A_45 = arith.constant dense<0.000000e+00> : vector<2000x64xf32>
    %dot_general3A_46 = tpu.matmul %select_n3A, %get3A_44, %dot_general3A_45 {dimension_numbers = #tpu.dot_dimension_numbers<[1], [0], [0], [1], [0, 0, 1, 1], [], []>, transpose_lhs_hint = false} : vector<2000x128xf32>, vector<128x64xf32>, vector<2000x64xf32> -> vector<2000x64xf32>
    %add3A_47 = arith.addf %add3A_41, %dot_general3A_46 : vector<2000x64xf32>
    %get3A_48 = arith.constant 0 : index
    %get3A_49 = arith.constant 0 : index
    %get3A_50 = vector.load %arg11[%get3A_48, %get3A_49] : memref<128x64xf32, #tpu.memory_space<vmem>>, vector<128x64xf32>
    %dot_general3A_51 = arith.constant dense<0.000000e+00> : vector<2000x64xf32>
    %dot_general3A_52 = tpu.matmul %select_n3A_19, %get3A_50, %dot_general3A_51 {dimension_numbers = #tpu.dot_dimension_numbers<[1], [0], [0], [1], [0, 0, 1, 1], [], []>, transpose_lhs_hint = false} : vector<2000x128xf32>, vector<128x64xf32>, vector<2000x64xf32> -> vector<2000x64xf32>
    %add3A_53 = arith.addf %add3A_47, %dot_general3A_52 : vector<2000x64xf32>
    %get3A_54 = arith.constant 0 : index
    %get3A_55 = arith.constant 0 : index
    %get3A_56 = vector.load %arg3[%get3A_54, %get3A_55] : memref<2000x128xf32, #tpu.memory_space<vmem>>, vector<2000x128xf32>
    %get3A_57 = arith.constant 0 : index
    %get3A_58 = arith.constant 0 : index
    %get3A_59 = vector.load %arg12[%get3A_57, %get3A_58] : memref<128x64xf32, #tpu.memory_space<vmem>>, vector<128x64xf32>
    %dot_general3A_60 = arith.constant dense<0.000000e+00> : vector<2000x64xf32>
    %dot_general3A_61 = tpu.matmul %get3A_56, %get3A_59, %dot_general3A_60 {dimension_numbers = #tpu.dot_dimension_numbers<[1], [0], [0], [1], [0, 0, 1, 1], [], []>, transpose_lhs_hint = false} : vector<2000x128xf32>, vector<128x64xf32>, vector<2000x64xf32> -> vector<2000x64xf32>
    %add3A_62 = arith.addf %add3A_53, %dot_general3A_61 : vector<2000x64xf32>
    %get3A_63 = arith.constant 0 : index
    %get3A_64 = arith.constant 0 : index
    %get3A_65 = vector.load %arg13[%get3A_63, %get3A_64] : memref<1x64xf32, #tpu.memory_space<vmem>>, vector<1x64xf32>
    %add3A_66 = vector.broadcast %get3A_65 : vector<1x64xf32> to vector<2000x64xf32>
    %add3A_67 = arith.addf %add3A_62, %add3A_66 : vector<2000x64xf32>
    %tanh3A = math.tanh %add3A_67 : vector<2000x64xf32>
    %get3A_68 = arith.constant 0 : index
    %get3A_69 = arith.constant 0 : index
    %get3A_70 = vector.load %arg14[%get3A_68, %get3A_69] : memref<64x64xf32, #tpu.memory_space<vmem>>, vector<64x64xf32>
    %dot_general3A_71 = arith.constant dense<0.000000e+00> : vector<2000x64xf32>
    %dot_general3A_72 = tpu.matmul %tanh3A, %get3A_70, %dot_general3A_71 {dimension_numbers = #tpu.dot_dimension_numbers<[1], [0], [0], [1], [0, 0, 1, 1], [], []>, transpose_lhs_hint = false} : vector<2000x64xf32>, vector<64x64xf32>, vector<2000x64xf32> -> vector<2000x64xf32>
    %get3A_73 = arith.constant 0 : index
    %get3A_74 = arith.constant 0 : index
    %get3A_75 = vector.load %arg15[%get3A_73, %get3A_74] : memref<1x64xf32, #tpu.memory_space<vmem>>, vector<1x64xf32>
    %add3A_76 = vector.broadcast %get3A_75 : vector<1x64xf32> to vector<2000x64xf32>
    %add3A_77 = arith.addf %dot_general3A_72, %add3A_76 : vector<2000x64xf32>
    %tanh3A_78 = math.tanh %add3A_77 : vector<2000x64xf32>
    %get3A_79 = arith.constant 0 : index
    %get3A_80 = arith.constant 0 : index
    %get3A_81 = vector.load %arg16[%get3A_79, %get3A_80] : memref<64x128xf32, #tpu.memory_space<vmem>>, vector<64x128xf32>
    %dot_general3A_82 = arith.constant dense<0.000000e+00> : vector<2000x128xf32>
    %dot_general3A_83 = tpu.matmul %tanh3A_78, %get3A_81, %dot_general3A_82 {dimension_numbers = #tpu.dot_dimension_numbers<[1], [0], [0], [1], [0, 0, 1, 1], [], []>, transpose_lhs_hint = false} : vector<2000x64xf32>, vector<64x128xf32>, vector<2000x128xf32> -> vector<2000x128xf32>
    %get3A_84 = arith.constant 0 : index
    %get3A_85 = arith.constant 0 : index
    %get3A_86 = vector.load %arg17[%get3A_84, %get3A_85] : memref<1x128xf32, #tpu.memory_space<vmem>>, vector<1x128xf32>
    %add3A_87 = vector.broadcast %get3A_86 : vector<1x128xf32> to vector<2000x128xf32>
    %add3A_88 = arith.addf %dot_general3A_83, %add3A_87 : vector<2000x128xf32>
    %swap3A = arith.constant 0 : index
    %swap3A_89 = arith.constant 0 : index
    %swap3A_90 = vector.load %arg18[%swap3A, %swap3A_89] : memref<2000x128xf32, #tpu.memory_space<vmem>>, vector<2000x128xf32>
    tpu.vector_store %arg18[%swap3A, %swap3A_89], %add3A_88 {strides = array<i32>} : memref<2000x128xf32, #tpu.memory_space<vmem>>, vector<2000x128xf32>,
    return
  }
  func.func @transform_0(%arg0: i32) -> (i32, i32) {
    %c0_i32 = arith.constant 0 : i32
    %c0_i32_0 = arith.constant 0 : i32
    return %arg0, %c0_i32 : i32, i32
  }
  func.func @transform_1(%arg0: i32) -> (i32, i32) {
    %c0_i32 = arith.constant 0 : i32
    %c0_i32_0 = arith.constant 0 : i32
    return %arg0, %c0_i32 : i32, i32
  }
  func.func @transform_2(%arg0: i32) -> (i32, i32) {
    %c0_i32 = arith.constant 0 : i32
    %c0_i32_0 = arith.constant 0 : i32
    return %arg0, %c0_i32 : i32, i32
  }
  func.func @transform_3(%arg0: i32) -> (i32, i32) {
    %c0_i32 = arith.constant 0 : i32
    %c0_i32_0 = arith.constant 0 : i32
    return %arg0, %c0_i32 : i32, i32
  }
  func.func @transform_4(%arg0: i32) -> (i32, i32) {
    %c0_i32 = arith.constant 0 : i32
    %c0_i32_0 = arith.constant 0 : i32
    return %arg0, %c0_i32 : i32, i32
  }
  func.func @transform_5(%arg0: i32) -> (i32, i32) {
    %c0_i32 = arith.constant 0 : i32
    %c0_i32_0 = arith.constant 0 : i32
    return %arg0, %c0_i32 : i32, i32
  }
  func.func @transform_6(%arg0: i32) -> (i32, i32) {
    %c0_i32 = arith.constant 0 : i32
    %c0_i32_0 = arith.constant 0 : i32
    return %arg0, %c0_i32 : i32, i32
  }
  func.func @transform_7(%arg0: i32) -> (i32, i32) {
    %c0_i32 = arith.constant 0 : i32
    %c0_i32_0 = arith.constant 0 : i32
    %c0_i32_1 = arith.constant 0 : i32
    return %c0_i32, %c0_i32_0 : i32, i32
  }
  func.func @transform_8(%arg0: i32) -> (i32, i32) {
    %c0_i32 = arith.constant 0 : i32
    %c0_i32_0 = arith.constant 0 : i32
    %c0_i32_1 = arith.constant 0 : i32
    return %c0_i32, %c0_i32_0 : i32, i32
  }
  func.func @transform_9(%arg0: i32) -> (i32, i32) {
    %c0_i32 = arith.constant 0 : i32
    %c0_i32_0 = arith.constant 0 : i32
    %c0_i32_1 = arith.constant 0 : i32
    return %c0_i32, %c0_i32_0 : i32, i32
  }
  func.func @transform_10(%arg0: i32) -> (i32, i32) {
    %c0_i32 = arith.constant 0 : i32
    %c0_i32_0 = arith.constant 0 : i32
    %c0_i32_1 = arith.constant 0 : i32
    return %c0_i32, %c0_i32_0 : i32, i32
  }
  func.func @transform_11(%arg0: i32) -> (i32, i32) {
    %c0_i32 = arith.constant 0 : i32
    %c0_i32_0 = arith.constant 0 : i32
    %c0_i32_1 = arith.constant 0 : i32
    return %c0_i32, %c0_i32_0 : i32, i32
  }
  func.func @transform_12(%arg0: i32) -> (i32, i32) {
    %c0_i32 = arith.constant 0 : i32
    %c0_i32_0 = arith.constant 0 : i32
    %c0_i32_1 = arith.constant 0 : i32
    return %c0_i32, %c0_i32_0 : i32, i32
  }
  func.func @transform_13(%arg0: i32) -> (i32, i32) {
    %c0_i32 = arith.constant 0 : i32
    %c0_i32_0 = arith.constant 0 : i32
    %c0_i32_1 = arith.constant 0 : i32
    return %c0_i32, %c0_i32_0 : i32, i32
  }
  func.func @transform_14(%arg0: i32) -> (i32, i32) {
    %c0_i32 = arith.constant 0 : i32
    %c0_i32_0 = arith.constant 0 : i32
    %c0_i32_1 = arith.constant 0 : i32
    return %c0_i32, %c0_i32_0 : i32, i32
  }
  func.func @transform_15(%arg0: i32) -> (i32, i32) {
    %c0_i32 = arith.constant 0 : i32
    %c0_i32_0 = arith.constant 0 : i32
    %c0_i32_1 = arith.constant 0 : i32
    return %c0_i32, %c0_i32_0 : i32, i32
  }
  func.func @transform_16(%arg0: i32) -> (i32, i32) {
    %c0_i32 = arith.constant 0 : i32
    %c0_i32_0 = arith.constant 0 : i32
    %c0_i32_1 = arith.constant 0 : i32
    return %c0_i32, %c0_i32_0 : i32, i32
  }
  func.func @transform_17(%arg0: i32) -> (i32, i32) {
    %c0_i32 = arith.constant 0 : i32
    %c0_i32_0 = arith.constant 0 : i32
    return %arg0, %c0_i32 : i32, i32
  }
}

</mosaic_0001>

<sc_bundles>
// kernel: kernel.12.cloned.1.call-start
scs
__scs_entry_jumppad:
0x0: {  	(pc) =	sbr.rel $0x88, $3  }
0x1: {  	(tag) =	ssettag $0x0;
	lr =	simm.s32 $0x1  }
0x2: {  	[smem:$0x3F7A] =	sst lr;
	_ =	strace $0xD0000000  }
0x3: {  	_ = 	snop  }
0x4: {  	_ = 	snop  }
0x5: {  	_ = 	snop  }
0x6: {  	_ = 	snop  }
0x7: {  	_ = 	snop  }
__scs_overlays_trampoline_lowered:
0x8: {  	[smem:$0x3F89] =	sst s0  }
0x9: {  	[smem:$0x3F8A] =	sst s1  }
0xa: {  	[smem:$0x3F8B] =	sst s2  }
0xb: {  	[smem:$0x3F8C] =	sst s3  }
0xc: {  	[smem:$0x3F8D] =	sst s4  }
0xd: {  	[smem:$0x3F8E] =	sst s5  }
0xe: {  	[smem:$0x3F8F] =	sst s6  }
0xf: {  	[smem:$0x3F90] =	sst s7  }
0x10: {  	[smem:$0x3F91] =	sst s8  }
0x11: {  	[smem:$0x3F92] =	sst s9;
	s0 =	simm.s32 @!p0 $0x0  }
0x12: {  	s1 =	sld [smem:$0x3F78];
	s0 =	simm.s32 @p0 $0x1  }
0x13: {  	[smem:$0x3F93] =	sst s0;
	s0 =	simm.s32 @!p1 $0x0  }
0x14: {  	s2 =	sld [smem:$0x3F77];
	s0 =	simm.s32 @p1 $0x1  }
0x15: {  	[smem:$0x3F94] =	sst s0;
	s0 =	simm.s32 @!p2 $0x0  }
0x16: {  	s3 =	sld [smem:$0x3FDB];
	s0 =	simm.s32 @p2 $0x1  }
0x17: {  	s4 =	simm.s32 $0x1BF5;
	[smem:$0x3F96] =	sst s0  }
0x18: {  	s0 =	sld [smem:$0x3F79];
	_ =	swait.ge [sflag:s4], $0x0  }
0x19: {  	s7 =	sld [smem:$0x3F7A]  }
0x1a: {  	s8 =	sadd.s32 $0xFFFFE003, lr  }
0x1b: {  	s9 =	sadd.s32 $0xFFFFFEF7, lr;
	s5 =	simm.s32 $0xFFFFFFFF;
	p2 =	slt.u32 s8, $0xFFFFF086  }
0x1c: {  	p1 =	slt.u32 s9, $0xF7A;
	s5 =	simm.s32 @!p2 $0x0  }
0x1d: {  	s5 =	simm.s32 @p1 $0x1;
	p0 =	seq.s32 s7, s2  }
0x1e: {  	s7 =	smul.u32 @!p0 $0xF7A, s2;
	p2 =	seq.s32 @!p0 s5, $0x0  }
0x1f: {  	s9 =	smul.u32 $0xF7A, s1;
	s8 =	simm.s32 @!p0 $0x1BF5;
	p2 =	por !p2, p0  }
0x20: {  	[sflag:s8] =	ssyncset.s32 @!p0 $0xFFFFF086;
	s6 =	sadd.s32 @!p0 s3, s7;
	s7 =	simm.s32 @!p0 $0x108  }
0x21: {  	s3 =	sadd.s32 s3, s9;
	s6 =	sadd.s32 @!p0 $0x88, s6;
	s7 =	simm.s32 @p2 $0x1082  }
0x22: {  	[simem:s7], [sflag:s8] =	dma.local @!p0 [hbm:s6], $0xF7A  }
0x23: {  	s9 =	sor.u32 $0xD0000000, s2;
	s6 =	simm.s32 $0x108;
	_ =	swait.ge @!p0 [sflag:s8], $0x0  }
0x24: {  	s3 =	sadd.s32 $0x88, s3;
	s6 =	simm.s32 @!p1 $0x1082;
	[sflag:s4] =	ssyncset.s32 $0xFFFFF086  }
0x25: {  	[simem:s6], [sflag:s4] =	dma.local [hbm:s3], $0xF7A  }
0x26: {  	[smem:$0x3F7A] =	sst s1;
	(tag) =	ssettag s2;
	_ =	strace s9  }
0x27: {  	s1 =	sld [smem:$0x3F8A]  }
0x28: {  	s2 =	sld [smem:$0x3F8B]  }
0x29: {  	s4 =	sld [smem:$0x3F8D]  }
0x2a: {  	p0 =	seq.s32 s5, $0x0;
	s5 =	sld [smem:$0x3F8E]  }
0x2b: {  	s6 =	sld [smem:$0x3F8F]  }
0x2c: {  	s7 =	sld [smem:$0x3F90]  }
0x2d: {  	s3 =	simm.s32 $0x108;
	s8 =	sld [smem:$0x3F91]  }
0x2e: {  	s3 =	simm.s32 @!p0 $0x1082;
	s9 =	sld [smem:$0x3F92]  }
0x2f: {  	lr =	sadd.s32 s0, s3;
	s0 =	sld [smem:$0x3F89]  }
0x30: {  	s3 =	sld [smem:$0x3F8C]  }
0x31: {  	[smem:$0x3F95] =	sst s10  }
0x32: {  	s10 =	sld [smem:$0x3F93];
	_ =	sdelay $0x3  }
0x33: {  	p0 =	seq.s32 s10, $0x1;
	s10 =	sld [smem:$0x3F95];
	_ =	sdelay $0x3  }
0x34: {  	[smem:$0x3F95] =	sst s10  }
0x35: {  	s10 =	sld [smem:$0x3F94];
	_ =	sdelay $0x3  }
0x36: {  	p1 =	seq.s32 s10, $0x1;
	s10 =	sld [smem:$0x3F95];
	_ =	sdelay $0x3  }
0x37: {  	[smem:$0x3F95] =	sst s10  }
0x38: {  	s10 =	sld [smem:$0x3F96]  }
0x39: {  	_ = 	snop;
	(pc) =	sbr.ind lr, $3  }
0x3a: {  	_ = 	snop  }
0x3b: {  	_ = 	snop  }
0x3c: {  	p2 =	seq.s32 s10, $0x1;
	s10 =	sld [smem:$0x3F95]  }
0x3d: {  	_ =	shalt  }
0x3e: {  	_ =	shalt  }
0x3f: {  	_ =	shalt  }
0x40: {  	_ =	shalt  }
0x41: {  	_ =	shalt  }
0x42: {  	_ =	shalt  }
0x43: {  	_ =	shalt  }
0x44: {  	_ =	shalt  }
0x45: {  	_ =	shalt  }
0x46: {  	_ =	shalt  }
0x47: {  	_ =	shalt  }
0x48: {  	_ =	shalt  }
0x49: {  	_ =	shalt  }
0x4a: {  	_ =	shalt  }
0x4b: {  	_ =	shalt  }
0x4c: {  	_ =	shalt  }
0x4d: {  	_ =	shalt  }
0x4e: {  	_ =	shalt  }
0x4f: {  	_ =	shalt  }
0x50: {  	_ =	shalt  }
0x51: {  	_ =	shalt  }
0x52: {  	_ =	shalt  }
0x53: {  	_ =	shalt  }
0x54: {  	_ =	shalt  }
0x55: {  	_ =	shalt  }
0x56: {  	_ =	shalt  }
0x57: {  	_ =	shalt  }
0x58: {  	_ =	shalt  }
0x59: {  	_ =	shalt  }
0x5a: {  	_ =	shalt  }
0x5b: {  	_ =	shalt  }
0x5c: {  	_ =	shalt  }
0x5d: {  	_ =	shalt  }
0x5e: {  	_ =	shalt  }
0x5f: {  	_ =	shalt  }
0x60: {  	_ =	shalt  }
0x61: {  	_ =	shalt  }
0x62: {  	_ =	shalt  }
0x63: {  	_ =	shalt  }
0x64: {  	_ =	shalt  }
0x65: {  	_ =	shalt  }
0x66: {  	_ =	shalt  }
0x67: {  	_ =	shalt  }
0x68: {  	_ =	shalt  }
0x69: {  	_ =	shalt  }
0x6a: {  	_ =	shalt  }
0x6b: {  	_ =	shalt  }
0x6c: {  	_ =	shalt  }
0x6d: {  	_ =	shalt  }
0x6e: {  	_ =	shalt  }
0x6f: {  	_ =	shalt  }
0x70: {  	_ =	shalt  }
0x71: {  	_ =	shalt  }
0x72: {  	_ =	shalt  }
0x73: {  	_ =	shalt  }
0x74: {  	_ =	shalt  }
0x75: {  	_ =	shalt  }
0x76: {  	_ =	shalt  }
0x77: {  	_ =	shalt  }
0x78: {  	_ =	shalt  }
0x79: {  	_ =	shalt  }
0x7a: {  	_ =	shalt  }
0x7b: {  	_ =	shalt  }
0x7c: {  	_ =	shalt  }
0x7d: {  	_ =	shalt  }
0x7e: {  	_ =	shalt  }
0x7f: {  	_ =	shalt  }
0x80: {  	_ =	shalt  }
0x81: {  	_ =	shalt  }
0x82: {  	_ =	shalt  }
0x83: {  	_ =	shalt  }
0x84: {  	_ =	shalt  }
0x85: {  	_ =	shalt  }
0x86: {  	_ =	shalt  }
0x87: {  	_ =	shalt  }
.Lfunc_end0:
.L_simem_size_0:
called_computation.1_lowered:
.L_overlay_start_0:
0x88: {  	s2 =	sld [smem:$0x3FD9]  }
0x89: {  	s3 =	sld [smem:$0x3FFE];
	_ =	sdelay $0x1  }
0x8a: {  	s1 =	srdreg.scid  }
0x8b: {  	s0 =	sand.u32 $0x1, s1  }
0x8c: {  	s17 =	sshll.u32 s0, $0xA;
	s2 =	sadd.s32 s3, s2  }
0x8d: {  	s2 =	sadd.s32 s2, s17  }
0x8e: {  	[smem:$0x3FA1] =	sst s2  }
0x8f: {  	_ = 	snop  }
0x90: {  	(tm) =	ssettm $0x1  }
0x91: {  	s18 =	sld [smem:$0x3FFB];
	_ =	sdelay $0x3  }
0x92: {  	_ =	strace s18  }
0x93: {  	s2 =	sld [smem:$0x3FFC];
	_ =	sdelay $0x3  }
0x94: {  	_ =	strace s2  }
0x95: {  	s2 =	sld [smem:$0x3FFD];
	_ =	sdelay $0x3  }
0x96: {  	_ =	strace s2  }
0x97: {  	_ =	strace $0x8FFFFFFF  }
0x98: {  	s19 =	sld [smem:$0x3FDB];
	_ =	sdelay $0x1  }
0x99: {  	s20 =	simm.s32 $_scs_section_size  }
0x9a: {  	s4 =	simm.s32 $_size__tile_overlayer_lowered;
	s5 =	simm.s32 $_tile_overlayer_lowered  }
0x9b: {  	s6 =	simm.s32 $0x1BFF;
	s21 =	sshll.u32 s5, $0x1;
	s3 =	sadd.s32 s20, s19  }
0x9c: {  	s22 =	simm.s32 $0x0;
	s4 =	sshll.u32 s4, $0x1;
	s5 =	sadd.s32 s21, s3  }
0x9d: {  	[timem:s22], [sflag:s6] =	dma.local [hbm:s5], s4  }
0x9e: {  	_ =	swait.ge [sflag:s6], s4  }
0x9f: {  	s4 =	ssub.s32 $0x0, s4;
	[sflag:s6] =	ssyncset.done $0x0  }
0xa0: {  	[sflag:s6] =	ssyncadd.s32 s4;
	_ =	sdelay $0x1  }
0xa1: {  	s23 =	simm.s32 $0x1B8B  }
0xa2: {  	_ =	swait.ge [sflag:s23], $0x1  }
0xa3: {  	[sflag:s23] =	ssyncset.done $0x0  }
0xa4: {  	[sflag:s23] =	ssyncadd.s32 $0xFFFFFFFF  }
0xa5: {  	s4 =	sld [smem:$0x0]  }
0xa6: {  	s5 =	sand.u32 $0xFFFFFFFE, s1  }
0xa7: {  	p0 =	sne.s32 s1, s5  }
0xa8: {  	s5 =	sshll.u32 @p0 s5, $0xE  }
0xa9: {  	s5 =	sadd.s32 @p0 $0x11B8D, s5;
	s6 =	sshll.u32 @p0 s4, $0x11  }
0xaa: {  	s5 =	sor.u32 @p0 s6, s5  }
0xab: {  	[sflag:s5] =	ssyncadd.remote.s32 @p0 $0x1;
	_ =	sdelay $0x1  }
0xac: {  	s5 =	simm.s32 @p0 $0x1B8D  }
0xad: {  	_ =	swait.eq @p0 [sflag:s5], $0x1  }
0xae: {  	[sflag:s5] =	ssyncadd.s32 @p0 $0xFFFFFFFF  }
0xaf: {  	s6 =	sshll.u32 @!p0 s1, $0xE  }
0xb0: {  	s6 =	sor.u32 @!p0 $0x4000, s6;
	s5 =	simm.s32 @!p0 $0x1B8D  }
0xb1: {  	s4 =	sshll.u32 @!p0 s4, $0x11;
	s6 =	sadd.s32 @!p0 $0x11B8D, s6;
	_ =	swait.eq @!p0 [sflag:s5], $0x1  }
0xb2: {  	s4 =	sor.u32 @!p0 s4, s6;
	[sflag:s5] =	ssyncadd.s32 @!p0 $0xFFFFFFFF  }
0xb3: {  	s25 =	simm.s32 $0x1B8E;
	s24 =	sld [smem:$0x3FFE];
	[sflag:s4] =	ssyncadd.remote.s32 @!p0 $0x1  }
0xb4: {  	s26 =	simm.s32 $execute0_lowered;
	[smem:$0x3FD2] =	sst s25  }
0xb5: {  	s5 =	sshll.u32 s26, $0x1;
	_ =	strace $0x8000004C;
	[dreg:$0x1] =	wrdreg $0xFFFFFFFF  }
0xb6: {  	s28 =	simm.s32 $_size_execute0_lowered;
	s3 =	sadd.s32 s3, s5;
	[dreg:$0x0] =	wrdreg $0x0  }
0xb7: {  	s5 =	sshll.u32 s28, $0x1;
	[dreg:$0x2] =	wrdreg s3  }
0xb8: {  	[dreg:$0x3] =	wrdreg s5  }
0xb9: {  	[dreg:$0x4] =	wrdreg $0xC0  }
0xba: {  	_ =	task [dreg:s22], $0x5FFFF  }
0xbb: {  	[dreg:$0x1] =	wrdreg $0xFFFFFFFF  }
0xbc: {  	[dreg:$0x0] =	wrdreg $0x60  }
0xbd: {  	[dreg:$0x2] =	wrdreg s24  }
0xbe: {  	[dreg:$0x3] =	wrdreg $0x81000  }
0xbf: {  	[dreg:$0x4] =	wrdreg $0x9  }
0xc0: {  	_ =	task.clear_ibuf [dreg:s22], $0x5FFFF;
	_ =	strace $0x9000004C  }
0xc1: {  	s29 =	simm.s32 $0x9;
	_ =	strace $0x8000004E  }
0xc2: {  	_ =	swait.ge [sflag:s29], $0x1  }
0xc3: {  	[sflag:s29] =	ssyncadd.s32 $0xFFFFFFFF  }
0xc4: {  	_ =	strace $0x9000004E  }
0xc5: {  	_ =	sfence  }
0xc6: {  	s30 =	sld [smem:$0x0];
	_ =	sdelay $0x2  }
0xc7: {  	s31 =	sshll.u32 s1, $0xD;
	s1 =	sshrl.u32 s1, $0x2  }
0xc8: {  	s4 =	sand.u32 $0x4000, s31;
	s1 =	sadd.s32 s1, s30  }
0xc9: {  	s0 =	sor.u32 s4, s0;
	s1 =	sshll.u32 s1, $0x11  }
0xca: {  	s0 =	sor.u32 s1, s0  }
0xcb: {  	s0 =	sadd.s32 $0x8F2B, s0  }
0xcc: {  	[sflag:s0] =	ssyncadd.remote.s32 $0x1  }
0xcd: {  	_ =	sfence.sel $0xFFFF  }
0xce: {  	[dreg:$0x0] =	wrdreg $0xFFFFFFFF;
	(pc) =	sbr.abs _section_cstart, $3  }
0xcf: {  	[dreg:$0x1] =	wrdreg $0xFFFFFFFF  }
0xd0: {  	_ =	task.clear_ibuf [dreg:s22], $0x2FFFF;
	_ =	strace $0x9FFFFFFF  }
0xd1: {  	(tm) =	ssettm $0x7FFFFFFF  }
tec
execute0_lowered:
.L_overlay_start_1:
0x0: {  	(tag) =	ssettag $0x1  }
0x1: {  	s6 =	rddreg [dreg:$0x0]  }
0x2: {  	s1 =	rddreg [dreg:$0x1]  }
0x3: {  	s0 =	rddreg [dreg:$0x2]  }
0x4: {  	s2 =	simm.s32 $0x0;
	s3 =	stileid.u32;
	s5 =	srdreg.scid  }
0x5: {  	s14 =	simm.s32 $0x80;
	s15 =	simm.s32 $0x4100;
	s16 =	simm.s32 $0x1  }
0x6: {  	s17 =	simm.s32 $0x3;
	s18 =	simm.s32 $0x2;
	s19 =	simm.s32 $0x4  }
0x7: {  	s20 =	simm.s32 $0x5;
	s21 =	simm.s32 $0x6;
	s23 =	simm.s32 $0x7  }
0x8: {  	s24 =	simm.s32 $0x0;
	[smem:$0x7FF] =	sst s2;
	s4 =	sshll.u32 s3, $0x4  }
0x9: {  	s31 =	sshll.u32 s3, $0xB;
	s13 =	sand.u32 $0x1, s5;
	s7 =	smul.u32 $0x7D000, s3  }
0xa: {  	s5 =	sadd.s32 $0x19D1200, s6;
	p0 =	sne.s32 s3, $0x0;
	p2 =	sgt.u32 s3, $0x9  }
0xb: {  	p3 =	slt.u32 s3, $0xA;
	_ =	strace $0x8000004D;
	s10 =	sadd.s32 s4, s6  }
0xc: {  	s11 =	sadd.s32 s31, s6;
	s4 =	sadd.s32 $0xAA00, s6;
	s8 =	ssub.s32 $0x2, s13  }
.Ltmp0:
0xd: {  	s6 =	sadd.s32 $0x19F8400, s6;
	s12 =	sshrl.u32 @!p0 s1, $0x3;
	(pc) =	sbr.rel .LBB2_1-.Ltmp0, $4  }
0xe: {  	p1 =	sne.s32 s13, $0x0;
	s13 =	simm.s32 $0x100;
	s9 =	sshrl.u32 s8, $0x1  }
0xf: {  	s7 =	sshrl.u32 s7, $0x2;
	s10 =	sadd.s32 $0x36000, s10;
	s8 =	ssub.s32 s8, s9  }
0x10: {  	s22 =	sadd.s32 s7, s1;
	s7 =	smul.u32 $0x3E80, s3;
	s9 =	sadd.s32 $0x14E9200, s11  }
0x11: {  	s11 =	sadd.s32 $0x541C00, s11;
	s8 =	smax.u32 s8, $0x1;
	s22 =	sshrl.u32 s22, $0x3  }
.LBB2_8:
0x12: {  	s26 =	sshll.u32 s3, $0x6  }
0x13: {  	s25 =	sadd.s32 s25, s7;
	s26 =	sor.u32 $0x1C07, s26  }
0x14: {  	[hbm:s25], [sflag:s26] =	dma.local [spmem:s22], $0x3E80  }
0x15: {  	_ =	swait.ge [sflag:s23], $0x3E80  }
0x16: {  	[sflag:s23] =	ssyncset.done $0x0  }
0x17: {  	[sflag:s23] =	ssyncadd.s32 $0xFFFFC180  }
.LBB2_9:
0x18: {  	s24 =	sadd.s32 $0x1, s24  }
0x19: {  	p4 =	sne.s32 s24, s8  }
.Ltmp1:
0x1a: {  	_ = 	snop;
	(pc) =	sbr.rel @!p4 .LBB2_10-.Ltmp1, $1  }
0x1b: {  	_ =	sdelay $0x3  }
.LBB2_1:
0x1c: {  	s25 =	simm.s32 @!p0 $0x1C07  }
0x1d: {  	[spmem:s12], [sflag:s25] =	dma.local @!p0 [hbm:s4], $0x27180  }
0x1e: {  	s25 =	simm.s32 @!p0 $0x7  }
.Ltmp2:
0x1f: {  	_ =	swait.ge @!p0 [sflag:s25], $0x27180;
	(pc) =	sbr.rel @p1 .LBB2_5-.Ltmp2, $4  }
0x20: {  	[sflag:s25] =	ssyncset.done @!p0 $0x0  }
0x21: {  	[sflag:s25] =	ssyncadd.s32 @!p0 $0xFFFD8E80  }
0x22: {  	[bflag:$0x0] =	sbarrier.arrive $0xFFFF  }
0x23: {  	s25 =	sadd.s32 $0x0, s10  }
0x24: {  	[tilespmem:s2], [sflag:$0x1] =	stream.linear.gather [hbm4b:s25+s2], $0x80, $0x38;
	[tilespmem:$0x1B9C0] =	vst v63  }
0x25: {  	s26 =	sadd.s32 $0xFFFF8000, s11  }
0x26: {  	[tilespmem:s13], [sflag:$0x3] =	stream.linear.gather [hbm4b:s26+s2], $0x4000, $0x38;
	[tilespmem:$0x1B9C0] =	vst v63  }
0x27: {  	s31 =	sadd.s32 $0x100, s25  }
0x28: {  	[tilespmem:s14], [sflag:$0x2] =	stream.linear.gather [hbm4b:s31+s2], $0x80, $0x38;
	[tilespmem:$0x1B9C0] =	vst v63  }
0x29: {  	_ = 	snop  }
0x2a: {  	[tilespmem:s15], [sflag:$0x4] =	stream.linear.gather [hbm4b:s11+s2], $0x4000, $0x38;
	[tilespmem:$0x1B9C0] =	vst v63  }
0x2b: {  	_ =	swait.ge [sflag:s16], $0x80  }
0x2c: {  	[sflag:s16] =	ssyncset.done $0x0  }
0x2d: {  	[sflag:s16] =	ssyncadd.s32 $0xFFFFFF80  }
0x2e: {  	_ =	swait.ge [sflag:s17], $0x4000  }
0x2f: {  	[sflag:s17] =	ssyncset.done $0x0  }
0x30: {  	[sflag:s17] =	ssyncadd.s32 $0xFFFFC000  }
0x31: {  	[spmem:s1] =	stream.indirect.scatter.add.f32 [tilespmem:s13], [sflag:$0x5], $0x80, s2, s14, $0xb8;
	[tilespmem:$0x1B9C0] =	vst v63  }
0x32: {  	_ =	swait.ge [sflag:s18], $0x80  }
0x33: {  	[sflag:s18] =	ssyncset.done $0x0  }
0x34: {  	[sflag:s18] =	ssyncadd.s32 $0xFFFFFF80  }
0x35: {  	_ =	swait.ge [sflag:s19], $0x4000  }
0x36: {  	[sflag:s19] =	ssyncset.done $0x0  }
0x37: {  	[sflag:s19] =	ssyncadd.s32 $0xFFFFC000  }
0x38: {  	[spmem:s1] =	stream.indirect.scatter.add.f32 [tilespmem:s15], [sflag:$0x6], $0x80, s14, s14, $0xb8;
	[tilespmem:$0x1B9C0] =	vst v63  }
0x39: {  	_ =	swait.ge [sflag:s20], $0x4000  }
0x3a: {  	[sflag:s20] =	ssyncset.done $0x0  }
0x3b: {  	[sflag:s20] =	ssyncadd.s32 $0xFFFFC000  }
0x3c: {  	s28 =	simm.s32 $0x400;
	_ =	swait.ge [sflag:s21], $0x4000  }
0x3d: {  	s25 =	sadd.s32 $0x10000, s11;
	s26 =	simm.s32 $0x200;
	[sflag:s21] =	ssyncset.done $0x0  }
.LBB2_3:
0x3e: {  	s29 =	sadd.s32 s26, s10  }
0x3f: {  	[sflag:s21] =	ssyncadd.s32 $0xFFFFC000;
	s26 =	smov.u32 s28;
	s30 =	sadd.s32 $0x200, s28  }
0x40: {  	[tilespmem:s2], [sflag:$0x1] =	stream.linear.gather [hbm4b:s29+s2], $0x80, $0x38;
	[tilespmem:$0x1B9C0] =	vst v63  }
0x41: {  	p4 =	seq.s32 s28, $0x9C00;
	s28 =	sadd.s32 $0xFFFF8000, s25  }
0x42: {  	[tilespmem:s13], [sflag:$0x3] =	stream.linear.gather [hbm4b:s28+s2], $0x4000, $0x38;
	[tilespmem:$0x1B9C0] =	vst v63  }
0x43: {  	s28 =	sadd.s32 $0x100, s29  }
0x44: {  	[tilespmem:s14], [sflag:$0x2] =	stream.linear.gather [hbm4b:s28+s2], $0x80, $0x38;
	[tilespmem:$0x1B9C0] =	vst v63  }
0x45: {  	_ = 	snop  }
0x46: {  	[tilespmem:s15], [sflag:$0x4] =	stream.linear.gather [hbm4b:s25+s2], $0x4000, $0x38;
	[tilespmem:$0x1B9C0] =	vst v63  }
0x47: {  	_ =	swait.ge [sflag:s16], $0x80  }
0x48: {  	[sflag:s16] =	ssyncset.done $0x0  }
0x49: {  	[sflag:s16] =	ssyncadd.s32 $0xFFFFFF80  }
0x4a: {  	_ =	swait.ge [sflag:s17], $0x4000  }
0x4b: {  	[sflag:s17] =	ssyncset.done $0x0  }
0x4c: {  	[sflag:s17] =	ssyncadd.s32 $0xFFFFC000  }
0x4d: {  	[spmem:s1] =	stream.indirect.scatter.add.f32 [tilespmem:s13], [sflag:$0x5], $0x80, s2, s14, $0xb8;
	[tilespmem:$0x1B9C0] =	vst v63  }
0x4e: {  	_ =	swait.ge [sflag:s18], $0x80  }
0x4f: {  	[sflag:s18] =	ssyncset.done $0x0  }
0x50: {  	[sflag:s18] =	ssyncadd.s32 $0xFFFFFF80  }
0x51: {  	_ =	swait.ge [sflag:s19], $0x4000  }
0x52: {  	[sflag:s19] =	ssyncset.done $0x0  }
0x53: {  	[sflag:s19] =	ssyncadd.s32 $0xFFFFC000  }
0x54: {  	[spmem:s1] =	stream.indirect.scatter.add.f32 [tilespmem:s15], [sflag:$0x6], $0x80, s14, s14, $0xb8;
	[tilespmem:$0x1B9C0] =	vst v63  }
.Ltmp3:
0x55: {  	_ =	swait.ge [sflag:s20], $0x4000;
	(pc) =	sbr.rel @!p4 .LBB2_3-.Ltmp3, $4  }
0x56: {  	[sflag:s20] =	ssyncset.done $0x0  }
0x57: {  	[sflag:s20] =	ssyncadd.s32 $0xFFFFC000  }
0x58: {  	_ =	swait.ge [sflag:s21], $0x4000  }
0x59: {  	s28 =	smov.u32 s30;
	s25 =	sadd.s32 $0x10000, s25;
	[sflag:s21] =	ssyncset.done $0x0  }
0x5a: {  	s26 =	sadd.s32 s26, s10;
	[sflag:s21] =	ssyncadd.s32 $0xFFFFC000  }
0x5b: {  	[tilespmem:s2], [sflag:$0x1] =	stream.linear.gather [hbm4b:s26+s2], $0x80, $0x38;
	[tilespmem:$0x1B9C0] =	vst v63  }
0x5c: {  	s28 =	sadd.s32 $0xFFFF8000, s25  }
0x5d: {  	[tilespmem:s13], [sflag:$0x3] =	stream.linear.gather [hbm4b:s28+s2], $0x4000, $0x38;
	[tilespmem:$0x1B9C0] =	vst v63  }
0x5e: {  	s26 =	sadd.s32 $0x100, s26  }
0x5f: {  	[tilespmem:s14], [sflag:$0x2] =	stream.linear.gather [hbm4b:s26+s2], $0x80, $0x38;
	[tilespmem:$0x1B9C0] =	vst v63  }
0x60: {  	_ = 	snop  }
0x61: {  	[tilespmem:s15], [sflag:$0x4] =	stream.linear.gather [hbm4b:s25+s2], $0x4000, $0x38;
	[tilespmem:$0x1B9C0] =	vst v63  }
0x62: {  	_ =	swait.ge [sflag:s16], $0x80  }
0x63: {  	[sflag:s16] =	ssyncset.done $0x0  }
0x64: {  	[sflag:s16] =	ssyncadd.s32 $0xFFFFFF80  }
0x65: {  	_ =	swait.ge [sflag:s17], $0x4000  }
0x66: {  	[sflag:s17] =	ssyncset.done $0x0  }
0x67: {  	[sflag:s17] =	ssyncadd.s32 $0xFFFFC000  }
0x68: {  	[spmem:s1] =	stream.indirect.scatter.add.f32 [tilespmem:s13], [sflag:$0x5], $0x80, s2, s14, $0xb8;
	[tilespmem:$0x1B9C0] =	vst v63  }
0x69: {  	_ =	swait.ge [sflag:s18], $0x80  }
0x6a: {  	[sflag:s18] =	ssyncset.done $0x0  }
0x6b: {  	[sflag:s18] =	ssyncadd.s32 $0xFFFFFF80  }
0x6c: {  	_ =	swait.ge [sflag:s19], $0x4000  }
0x6d: {  	[sflag:s19] =	ssyncset.done $0x0  }
0x6e: {  	[sflag:s19] =	ssyncadd.s32 $0xFFFFC000  }
0x6f: {  	[spmem:s1] =	stream.indirect.scatter.add.f32 [tilespmem:s15], [sflag:$0x6], $0x80, s14, s14, $0xb8;
	[tilespmem:$0x1B9C0] =	vst v63  }
0x70: {  	_ =	swait.ge [sflag:s20], $0x4000  }
0x71: {  	[sflag:s20] =	ssyncset.done $0x0  }
0x72: {  	[sflag:s20] =	ssyncadd.s32 $0xFFFFC000  }
.Ltmp4:
0x73: {  	_ =	swait.ge [sflag:s21], $0x4000;
	(pc) =	sbr.rel @p2 .LBB2_9-.Ltmp4, $4  }
.Ltmp5:
0x74: {  	[sflag:s21] =	ssyncset.done $0x0;
	(pc) =	sbr.rel @!p2 .LBB2_8-.Ltmp5, $4  }
0x75: {  	[sflag:s21] =	ssyncadd.s32 $0xFFFFC000  }
0x76: {  	[bflag:$0x0] =	sbarrier.arrive $0xFFFF  }
0x77: {  	s25 =	smov.u32 s5  }
0x78: {  	_ = 	snop  }
.LBB2_5:
0x79: {  	[tilespmem:s2], [sflag:$0x1] =	stream.linear.gather [hbm4b:s25+s2], $0x80, $0x38;
	[tilespmem:$0x1B9C0] =	vst v63  }
0x7a: {  	s26 =	sadd.s32 $0xFFFF8000, s9  }
0x7b: {  	[tilespmem:s13], [sflag:$0x3] =	stream.linear.gather [hbm4b:s26+s2], $0x4000, $0x38;
	[tilespmem:$0x1B9C0] =	vst v63  }
0x7c: {  	s31 =	sadd.s32 $0x100, s25  }
0x7d: {  	[tilespmem:s14], [sflag:$0x2] =	stream.linear.gather [hbm4b:s31+s2], $0x80, $0x38;
	[tilespmem:$0x1B9C0] =	vst v63  }
0x7e: {  	_ = 	snop  }
0x7f: {  	[tilespmem:s15], [sflag:$0x4] =	stream.linear.gather [hbm4b:s9+s2], $0x4000, $0x38;
	[tilespmem:$0x1B9C0] =	vst v63  }
0x80: {  	_ =	swait.ge [sflag:s16], $0x80  }
0x81: {  	[sflag:s16] =	ssyncset.done $0x0  }
0x82: {  	[sflag:s16] =	ssyncadd.s32 $0xFFFFFF80  }
0x83: {  	_ =	swait.ge [sflag:s17], $0x4000  }
0x84: {  	[sflag:s17] =	ssyncset.done $0x0  }
0x85: {  	[sflag:s17] =	ssyncadd.s32 $0xFFFFC000  }
0x86: {  	[spmem:s1] =	stream.indirect.scatter.add.f32 [tilespmem:s13], [sflag:$0x5], $0x80, s2, s14, $0xb8;
	[tilespmem:$0x1B9C0] =	vst v63  }
0x87: {  	_ =	swait.ge [sflag:s18], $0x80  }
0x88: {  	[sflag:s18] =	ssyncset.done $0x0  }
0x89: {  	[sflag:s18] =	ssyncadd.s32 $0xFFFFFF80  }
0x8a: {  	_ =	swait.ge [sflag:s19], $0x4000  }
0x8b: {  	[sflag:s19] =	ssyncset.done $0x0  }
0x8c: {  	[sflag:s19] =	ssyncadd.s32 $0xFFFFC000  }
0x8d: {  	[spmem:s1] =	stream.indirect.scatter.add.f32 [tilespmem:s15], [sflag:$0x6], $0x80, s14, s14, $0xb8;
	[tilespmem:$0x1B9C0] =	vst v63  }
0x8e: {  	_ =	swait.ge [sflag:s20], $0x4000  }
0x8f: {  	[sflag:s20] =	ssyncset.done $0x0  }
0x90: {  	[sflag:s20] =	ssyncadd.s32 $0xFFFFC000  }
0x91: {  	s28 =	simm.s32 $0x400;
	_ =	swait.ge [sflag:s21], $0x4000  }
0x92: {  	s25 =	sadd.s32 $0x10000, s9;
	s26 =	simm.s32 $0x200;
	[sflag:s21] =	ssyncset.done $0x0  }
.LBB2_6:
0x93: {  	s29 =	sadd.s32 s26, s10  }
0x94: {  	[sflag:s21] =	ssyncadd.s32 $0xFFFFC000;
	s26 =	smov.u32 s28;
	s30 =	sadd.s32 $0x200, s28  }
0x95: {  	[tilespmem:s2], [sflag:$0x1] =	stream.linear.gather [hbm4b:s29+s2], $0x80, $0x38;
	[tilespmem:$0x1B9C0] =	vst v63  }
0x96: {  	p4 =	sne.s32 s28, $0x9C00;
	s28 =	sadd.s32 $0xFFFF8000, s25  }
0x97: {  	[tilespmem:s13], [sflag:$0x3] =	stream.linear.gather [hbm4b:s28+s2], $0x4000, $0x38;
	[tilespmem:$0x1B9C0] =	vst v63  }
0x98: {  	s28 =	sadd.s32 $0x100, s29  }
0x99: {  	[tilespmem:s14], [sflag:$0x2] =	stream.linear.gather [hbm4b:s28+s2], $0x80, $0x38;
	[tilespmem:$0x1B9C0] =	vst v63  }
0x9a: {  	_ = 	snop  }
0x9b: {  	[tilespmem:s15], [sflag:$0x4] =	stream.linear.gather [hbm4b:s25+s2], $0x4000, $0x38;
	[tilespmem:$0x1B9C0] =	vst v63  }
0x9c: {  	_ =	swait.ge [sflag:s16], $0x80  }
0x9d: {  	[sflag:s16] =	ssyncset.done $0x0  }
0x9e: {  	[sflag:s16] =	ssyncadd.s32 $0xFFFFFF80  }
0x9f: {  	_ =	swait.ge [sflag:s17], $0x4000  }
0xa0: {  	[sflag:s17] =	ssyncset.done $0x0  }
0xa1: {  	[sflag:s17] =	ssyncadd.s32 $0xFFFFC000  }
0xa2: {  	[spmem:s1] =	stream.indirect.scatter.add.f32 [tilespmem:s13], [sflag:$0x5], $0x80, s2, s14, $0xb8;
	[tilespmem:$0x1B9C0] =	vst v63  }
0xa3: {  	_ =	swait.ge [sflag:s18], $0x80  }
0xa4: {  	[sflag:s18] =	ssyncset.done $0x0  }
0xa5: {  	[sflag:s18] =	ssyncadd.s32 $0xFFFFFF80  }
0xa6: {  	_ =	swait.ge [sflag:s19], $0x4000  }
0xa7: {  	[sflag:s19] =	ssyncset.done $0x0  }
0xa8: {  	[sflag:s19] =	ssyncadd.s32 $0xFFFFC000  }
0xa9: {  	[spmem:s1] =	stream.indirect.scatter.add.f32 [tilespmem:s15], [sflag:$0x6], $0x80, s14, s14, $0xb8;
	[tilespmem:$0x1B9C0] =	vst v63  }
.Ltmp6:
0xaa: {  	_ =	swait.ge [sflag:s20], $0x4000;
	(pc) =	sbr.rel @p4 .LBB2_6-.Ltmp6, $4  }
0xab: {  	[sflag:s20] =	ssyncset.done $0x0  }
0xac: {  	[sflag:s20] =	ssyncadd.s32 $0xFFFFC000  }
0xad: {  	_ =	swait.ge [sflag:s21], $0x4000  }
0xae: {  	s28 =	smov.u32 s30;
	s25 =	sadd.s32 $0x10000, s25;
	[sflag:s21] =	ssyncset.done $0x0  }
0xaf: {  	s26 =	sadd.s32 s26, s10;
	[sflag:s21] =	ssyncadd.s32 $0xFFFFC000  }
0xb0: {  	[tilespmem:s2], [sflag:$0x1] =	stream.linear.gather [hbm4b:s26+s2], $0x80, $0x38;
	[tilespmem:$0x1B9C0] =	vst v63  }
0xb1: {  	s28 =	sadd.s32 $0xFFFF8000, s25  }
0xb2: {  	[tilespmem:s13], [sflag:$0x3] =	stream.linear.gather [hbm4b:s28+s2], $0x4000, $0x38;
	[tilespmem:$0x1B9C0] =	vst v63  }
0xb3: {  	s26 =	sadd.s32 $0x100, s26  }
0xb4: {  	[tilespmem:s14], [sflag:$0x2] =	stream.linear.gather [hbm4b:s26+s2], $0x80, $0x38;
	[tilespmem:$0x1B9C0] =	vst v63  }
0xb5: {  	_ = 	snop  }
0xb6: {  	[tilespmem:s15], [sflag:$0x4] =	stream.linear.gather [hbm4b:s25+s2], $0x4000, $0x38;
	[tilespmem:$0x1B9C0] =	vst v63  }
0xb7: {  	_ =	swait.ge [sflag:s16], $0x80  }
0xb8: {  	[sflag:s16] =	ssyncset.done $0x0  }
0xb9: {  	[sflag:s16] =	ssyncadd.s32 $0xFFFFFF80  }
0xba: {  	_ =	swait.ge [sflag:s17], $0x4000  }
0xbb: {  	[sflag:s17] =	ssyncset.done $0x0  }
0xbc: {  	[sflag:s17] =	ssyncadd.s32 $0xFFFFC000  }
0xbd: {  	[spmem:s1] =	stream.indirect.scatter.add.f32 [tilespmem:s13], [sflag:$0x5], $0x80, s2, s14, $0xb8;
	[tilespmem:$0x1B9C0] =	vst v63  }
0xbe: {  	_ =	swait.ge [sflag:s18], $0x80  }
0xbf: {  	[sflag:s18] =	ssyncset.done $0x0  }
0xc0: {  	[sflag:s18] =	ssyncadd.s32 $0xFFFFFF80  }
0xc1: {  	_ =	swait.ge [sflag:s19], $0x4000  }
0xc2: {  	[sflag:s19] =	ssyncset.done $0x0  }
0xc3: {  	[sflag:s19] =	ssyncadd.s32 $0xFFFFC000  }
0xc4: {  	[spmem:s1] =	stream.indirect.scatter.add.f32 [tilespmem:s15], [sflag:$0x6], $0x80, s14, s14, $0xb8;
	[tilespmem:$0x1B9C0] =	vst v63  }
0xc5: {  	_ =	swait.ge [sflag:s20], $0x4000  }
0xc6: {  	[sflag:s20] =	ssyncset.done $0x0  }
0xc7: {  	[sflag:s20] =	ssyncadd.s32 $0xFFFFC000  }
.Ltmp7:
0xc8: {  	_ =	swait.ge [sflag:s21], $0x4000;
	(pc) =	sbr.rel @!p3 .LBB2_9-.Ltmp7, $4  }
.Ltmp8:
0xc9: {  	[sflag:s21] =	ssyncset.done $0x0;
	(pc) =	sbr.rel @p3 .LBB2_8-.Ltmp8, $4  }
0xca: {  	[sflag:s21] =	ssyncadd.s32 $0xFFFFC000  }
0xcb: {  	[bflag:$0x0] =	sbarrier.arrive $0xFFFF  }
0xcc: {  	s25 =	smov.u32 s6  }
0xcd: {  	_ = 	snop  }
.LBB2_10:
0xce: {  	_ =	sfence.sel $0x180000  }
0xcf: {  	[bflag:$0x0] =	sbarrier.arrive $0xFFFF  }
0xd0: {  	_ =	strace $0x9000004D  }
0xd1: {  	s0 =	sadd.s32 @!p0 $0x100000, s0;
	[bflag:$0x2] =	sbarrier.arrive $0xFFFF  }
0xd2: {  	[sflag:s0] =	ssyncadd.tile.s32 @!p0 $0x1;
	_ =	shalt  }
.Lfunc_end2:
_tile_overlayer_lowered:
.L_overlay_start_2:
0xd3: {  	(tag) =	ssettag $0x2  }
0xd4: {  	s0 =	rddreg [dreg:$0x0];
	s2 =	stileid.u32  }
0xd5: {  	s1 =	rddreg [dreg:$0x1];
	p0 =	sne.s32 s2, $0x0  }
0xd6: {  	s3 =	rddreg [dreg:$0x2];
	[bflag:$0x3] =	sbarrier.arrive $0xFFFF;
	s2 =	simm.s32 @!p0 $0x1C07  }
0xd7: {  	[timem:s3], [sflag:s2] =	dma.local @!p0 [hbm:s0], s1  }
0xd8: {  	s0 =	simm.s32 @!p0 $0x7  }
0xd9: {  	_ =	swait.ge @!p0 [sflag:s0], s1  }
0xda: {  	s1 =	ssub.s32 @!p0 $0x0, s1;
	[sflag:s0] =	ssyncset.done @!p0 $0x0  }
0xdb: {  	[sflag:s0] =	ssyncadd.s32 @!p0 s1  }
0xdc: {  	[bflag:$0x3] =	sbarrier.arrive $0xFFFF  }
0xdd: {  	_ =	shalt  }

// kernel: kernel.15.cloned.1.call-start
scs
__scs_entry_jumppad:
0x0: {  	(pc) =	sbr.rel $0x88, $3  }
0x1: {  	(tag) =	ssettag $0x0;
	lr =	simm.s32 $0x1  }
0x2: {  	[smem:$0x3F7A] =	sst lr;
	_ =	strace $0xD0000000  }
0x3: {  	_ = 	snop  }
0x4: {  	_ = 	snop  }
0x5: {  	_ = 	snop  }
0x6: {  	_ = 	snop  }
0x7: {  	_ = 	snop  }
__scs_overlays_trampoline_lowered:
0x8: {  	[smem:$0x3F89] =	sst s0  }
0x9: {  	[smem:$0x3F8A] =	sst s1  }
0xa: {  	[smem:$0x3F8B] =	sst s2  }
0xb: {  	[smem:$0x3F8C] =	sst s3  }
0xc: {  	[smem:$0x3F8D] =	sst s4  }
0xd: {  	[smem:$0x3F8E] =	sst s5  }
0xe: {  	[smem:$0x3F8F] =	sst s6  }
0xf: {  	[smem:$0x3F90] =	sst s7  }
0x10: {  	[smem:$0x3F91] =	sst s8  }
0x11: {  	[smem:$0x3F92] =	sst s9;
	s0 =	simm.s32 @!p0 $0x0  }
0x12: {  	s1 =	sld [smem:$0x3F78];
	s0 =	simm.s32 @p0 $0x1  }
0x13: {  	[smem:$0x3F93] =	sst s0;
	s0 =	simm.s32 @!p1 $0x0  }
0x14: {  	s2 =	sld [smem:$0x3F77];
	s0 =	simm.s32 @p1 $0x1  }
0x15: {  	[smem:$0x3F94] =	sst s0;
	s0 =	simm.s32 @!p2 $0x0  }
0x16: {  	s3 =	sld [smem:$0x3FDB];
	s0 =	simm.s32 @p2 $0x1  }
0x17: {  	s4 =	simm.s32 $0x1BF5;
	[smem:$0x3F96] =	sst s0  }
0x18: {  	s0 =	sld [smem:$0x3F79];
	_ =	swait.ge [sflag:s4], $0x0  }
0x19: {  	s7 =	sld [smem:$0x3F7A]  }
0x1a: {  	s8 =	sadd.s32 $0xFFFFE003, lr  }
0x1b: {  	s9 =	sadd.s32 $0xFFFFFEF7, lr;
	s5 =	simm.s32 $0xFFFFFFFF;
	p2 =	slt.u32 s8, $0xFFFFF086  }
0x1c: {  	p1 =	slt.u32 s9, $0xF7A;
	s5 =	simm.s32 @!p2 $0x0  }
0x1d: {  	s5 =	simm.s32 @p1 $0x1;
	p0 =	seq.s32 s7, s2  }
0x1e: {  	s7 =	smul.u32 @!p0 $0xF7A, s2;
	p2 =	seq.s32 @!p0 s5, $0x0  }
0x1f: {  	s9 =	smul.u32 $0xF7A, s1;
	s8 =	simm.s32 @!p0 $0x1BF5;
	p2 =	por !p2, p0  }
0x20: {  	[sflag:s8] =	ssyncset.s32 @!p0 $0xFFFFF086;
	s6 =	sadd.s32 @!p0 s3, s7;
	s7 =	simm.s32 @!p0 $0x108  }
0x21: {  	s3 =	sadd.s32 s3, s9;
	s6 =	sadd.s32 @!p0 $0x88, s6;
	s7 =	simm.s32 @p2 $0x1082  }
0x22: {  	[simem:s7], [sflag:s8] =	dma.local @!p0 [hbm:s6], $0xF7A  }
0x23: {  	s9 =	sor.u32 $0xD0000000, s2;
	s6 =	simm.s32 $0x108;
	_ =	swait.ge @!p0 [sflag:s8], $0x0  }
0x24: {  	s3 =	sadd.s32 $0x88, s3;
	s6 =	simm.s32 @!p1 $0x1082;
	[sflag:s4] =	ssyncset.s32 $0xFFFFF086  }
0x25: {  	[simem:s6], [sflag:s4] =	dma.local [hbm:s3], $0xF7A  }
0x26: {  	[smem:$0x3F7A] =	sst s1;
	(tag) =	ssettag s2;
	_ =	strace s9  }
0x27: {  	s1 =	sld [smem:$0x3F8A]  }
0x28: {  	s2 =	sld [smem:$0x3F8B]  }
0x29: {  	s4 =	sld [smem:$0x3F8D]  }
0x2a: {  	p0 =	seq.s32 s5, $0x0;
	s5 =	sld [smem:$0x3F8E]  }
0x2b: {  	s6 =	sld [smem:$0x3F8F]  }
0x2c: {  	s7 =	sld [smem:$0x3F90]  }
0x2d: {  	s3 =	simm.s32 $0x108;
	s8 =	sld [smem:$0x3F91]  }
0x2e: {  	s3 =	simm.s32 @!p0 $0x1082;
	s9 =	sld [smem:$0x3F92]  }
0x2f: {  	lr =	sadd.s32 s0, s3;
	s0 =	sld [smem:$0x3F89]  }
0x30: {  	s3 =	sld [smem:$0x3F8C]  }
0x31: {  	[smem:$0x3F95] =	sst s10  }
0x32: {  	s10 =	sld [smem:$0x3F93];
	_ =	sdelay $0x3  }
0x33: {  	p0 =	seq.s32 s10, $0x1;
	s10 =	sld [smem:$0x3F95];
	_ =	sdelay $0x3  }
0x34: {  	[smem:$0x3F95] =	sst s10  }
0x35: {  	s10 =	sld [smem:$0x3F94];
	_ =	sdelay $0x3  }
0x36: {  	p1 =	seq.s32 s10, $0x1;
	s10 =	sld [smem:$0x3F95];
	_ =	sdelay $0x3  }
0x37: {  	[smem:$0x3F95] =	sst s10  }
0x38: {  	s10 =	sld [smem:$0x3F96]  }
0x39: {  	_ = 	snop;
	(pc) =	sbr.ind lr, $3  }
0x3a: {  	_ = 	snop  }
0x3b: {  	_ = 	snop  }
0x3c: {  	p2 =	seq.s32 s10, $0x1;
	s10 =	sld [smem:$0x3F95]  }
0x3d: {  	_ =	shalt  }
0x3e: {  	_ =	shalt  }
0x3f: {  	_ =	shalt  }
0x40: {  	_ =	shalt  }
0x41: {  	_ =	shalt  }
0x42: {  	_ =	shalt  }
0x43: {  	_ =	shalt  }
0x44: {  	_ =	shalt  }
0x45: {  	_ =	shalt  }
0x46: {  	_ =	shalt  }
0x47: {  	_ =	shalt  }
0x48: {  	_ =	shalt  }
0x49: {  	_ =	shalt  }
0x4a: {  	_ =	shalt  }
0x4b: {  	_ =	shalt  }
0x4c: {  	_ =	shalt  }
0x4d: {  	_ =	shalt  }
0x4e: {  	_ =	shalt  }
0x4f: {  	_ =	shalt  }
0x50: {  	_ =	shalt  }
0x51: {  	_ =	shalt  }
0x52: {  	_ =	shalt  }
0x53: {  	_ =	shalt  }
0x54: {  	_ =	shalt  }
0x55: {  	_ =	shalt  }
0x56: {  	_ =	shalt  }
0x57: {  	_ =	shalt  }
0x58: {  	_ =	shalt  }
0x59: {  	_ =	shalt  }
0x5a: {  	_ =	shalt  }
0x5b: {  	_ =	shalt  }
0x5c: {  	_ =	shalt  }
0x5d: {  	_ =	shalt  }
0x5e: {  	_ =	shalt  }
0x5f: {  	_ =	shalt  }
0x60: {  	_ =	shalt  }
0x61: {  	_ =	shalt  }
0x62: {  	_ =	shalt  }
0x63: {  	_ =	shalt  }
0x64: {  	_ =	shalt  }
0x65: {  	_ =	shalt  }
0x66: {  	_ =	shalt  }
0x67: {  	_ =	shalt  }
0x68: {  	_ =	shalt  }
0x69: {  	_ =	shalt  }
0x6a: {  	_ =	shalt  }
0x6b: {  	_ =	shalt  }
0x6c: {  	_ =	shalt  }
0x6d: {  	_ =	shalt  }
0x6e: {  	_ =	shalt  }
0x6f: {  	_ =	shalt  }
0x70: {  	_ =	shalt  }
0x71: {  	_ =	shalt  }
0x72: {  	_ =	shalt  }
0x73: {  	_ =	shalt  }
0x74: {  	_ =	shalt  }
0x75: {  	_ =	shalt  }
0x76: {  	_ =	shalt  }
0x77: {  	_ =	shalt  }
0x78: {  	_ =	shalt  }
0x79: {  	_ =	shalt  }
0x7a: {  	_ =	shalt  }
0x7b: {  	_ =	shalt  }
0x7c: {  	_ =	shalt  }
0x7d: {  	_ =	shalt  }
0x7e: {  	_ =	shalt  }
0x7f: {  	_ =	shalt  }
0x80: {  	_ =	shalt  }
0x81: {  	_ =	shalt  }
0x82: {  	_ =	shalt  }
0x83: {  	_ =	shalt  }
0x84: {  	_ =	shalt  }
0x85: {  	_ =	shalt  }
0x86: {  	_ =	shalt  }
0x87: {  	_ =	shalt  }
.Lfunc_end0:
.L_simem_size_0:
called_computation.2_lowered:
.L_overlay_start_0:
0x88: {  	s2 =	sld [smem:$0x3FD9]  }
0x89: {  	s3 =	sld [smem:$0x3FFE];
	_ =	sdelay $0x1  }
0x8a: {  	s1 =	srdreg.scid  }
0x8b: {  	s0 =	sand.u32 $0x1, s1  }
0x8c: {  	s16 =	sshll.u32 s0, $0xA;
	s2 =	sadd.s32 s3, s2  }
0x8d: {  	s2 =	sadd.s32 s2, s16  }
0x8e: {  	[smem:$0x3FA1] =	sst s2  }
0x8f: {  	_ = 	snop  }
0x90: {  	(tm) =	ssettm $0x1  }
0x91: {  	s17 =	sld [smem:$0x3FFB];
	_ =	sdelay $0x3  }
0x92: {  	_ =	strace s17  }
0x93: {  	s2 =	sld [smem:$0x3FFC];
	_ =	sdelay $0x3  }
0x94: {  	_ =	strace s2  }
0x95: {  	s2 =	sld [smem:$0x3FFD];
	_ =	sdelay $0x3  }
0x96: {  	_ =	strace s2  }
0x97: {  	_ =	strace $0x8FFFFFFF  }
0x98: {  	s18 =	sld [smem:$0x3FDB];
	_ =	sdelay $0x1  }
0x99: {  	s19 =	simm.s32 $_scs_section_size  }
0x9a: {  	s4 =	simm.s32 $_size__tile_overlayer_lowered;
	s5 =	simm.s32 $_tile_overlayer_lowered  }
0x9b: {  	s22 =	simm.s32 $0x1BFF;
	s21 =	sshll.u32 s5, $0x1;
	s2 =	sadd.s32 s19, s18  }
0x9c: {  	s6 =	simm.s32 $0x0;
	s20 =	sshll.u32 s4, $0x1;
	s4 =	sadd.s32 s21, s2  }
0x9d: {  	[timem:s6], [sflag:s22] =	dma.local [hbm:s4], s20  }
0x9e: {  	_ =	swait.ge [sflag:s22], s20  }
0x9f: {  	s3 =	ssub.s32 $0x0, s20;
	[sflag:s22] =	ssyncset.done $0x0  }
0xa0: {  	[sflag:s22] =	ssyncadd.s32 s3;
	_ =	sdelay $0x1  }
0xa1: {  	s23 =	simm.s32 $0x1B8B  }
0xa2: {  	_ =	swait.ge [sflag:s23], $0x1  }
0xa3: {  	[sflag:s23] =	ssyncset.done $0x0  }
0xa4: {  	s25 =	simm.s32 $0x1B8E;
	s24 =	sld [smem:$0x3FFE];
	[sflag:s23] =	ssyncadd.s32 $0xFFFFFFFF  }
0xa5: {  	s26 =	simm.s32 $execute0_lowered;
	[smem:$0x3FD2] =	sst s25  }
0xa6: {  	s4 =	sshll.u32 s26, $0x1;
	_ =	strace $0x80000049;
	[dreg:$0x1] =	wrdreg $0xFFFFFFFF  }
0xa7: {  	s28 =	simm.s32 $_size_execute0_lowered;
	s2 =	sadd.s32 s2, s4;
	[dreg:$0x0] =	wrdreg $0x0  }
0xa8: {  	s4 =	sshll.u32 s28, $0x1;
	[dreg:$0x2] =	wrdreg s2  }
0xa9: {  	[dreg:$0x3] =	wrdreg s4  }
0xaa: {  	[dreg:$0x4] =	wrdreg $0xC0  }
0xab: {  	_ =	task [dreg:s6], $0x5FFFF  }
0xac: {  	[dreg:$0x1] =	wrdreg $0xFFFFFFFF  }
0xad: {  	[dreg:$0x0] =	wrdreg $0x60  }
0xae: {  	[dreg:$0x2] =	wrdreg s24  }
0xaf: {  	[dreg:$0x3] =	wrdreg $0x81000  }
0xb0: {  	[dreg:$0x4] =	wrdreg $0xA  }
0xb1: {  	_ =	task.clear_ibuf [dreg:s6], $0x5FFFF;
	_ =	strace $0x90000049  }
0xb2: {  	s29 =	simm.s32 $0xA;
	_ =	strace $0x8000004B  }
0xb3: {  	_ =	swait.ge [sflag:s29], $0x1  }
0xb4: {  	[sflag:s29] =	ssyncadd.s32 $0xFFFFFFFF  }
0xb5: {  	_ =	strace $0x9000004B  }
0xb6: {  	_ =	sfence  }
0xb7: {  	s30 =	sld [smem:$0x0];
	_ =	sdelay $0x2  }
0xb8: {  	s31 =	sshll.u32 s1, $0xD;
	s1 =	sshrl.u32 s1, $0x2  }
0xb9: {  	s3 =	sand.u32 $0x4000, s31;
	s1 =	sadd.s32 s1, s30  }
0xba: {  	s0 =	sor.u32 s3, s0;
	s1 =	sshll.u32 s1, $0x11  }
0xbb: {  	s0 =	sor.u32 s1, s0  }
0xbc: {  	s0 =	sadd.s32 $0x8F2B, s0  }
0xbd: {  	[sflag:s0] =	ssyncadd.remote.s32 $0x1  }
0xbe: {  	_ =	sfence.sel $0xFFFF  }
0xbf: {  	[dreg:$0x0] =	wrdreg $0xFFFFFFFF;
	(pc) =	sbr.abs _section_cstart, $3  }
0xc0: {  	[dreg:$0x1] =	wrdreg $0xFFFFFFFF  }
0xc1: {  	_ =	task.clear_ibuf [dreg:s6], $0x2FFFF;
	_ =	strace $0x9FFFFFFF  }
0xc2: {  	(tm) =	ssettm $0x7FFFFFFF  }
0xc3: {  	_ =	shalt  }
tec
execute0_lowered:
.L_overlay_start_1:
0x0: {  	(tag) =	ssettag $0x1  }
0x1: {  	s6 =	rddreg [dreg:$0x0]  }
0x2: {  	s1 =	rddreg [dreg:$0x1]  }
0x3: {  	s0 =	rddreg [dreg:$0x2]  }
0x4: {  	s2 =	simm.s32 $0x0;
	s3 =	stileid.u32;
	s5 =	srdreg.scid  }
0x5: {  	s14 =	simm.s32 $0x80;
	s15 =	simm.s32 $0x4100;
	s16 =	simm.s32 $0x1  }
0x6: {  	s17 =	simm.s32 $0x3;
	s18 =	simm.s32 $0x2;
	s19 =	simm.s32 $0x4  }
0x7: {  	s20 =	simm.s32 $0x5;
	s21 =	simm.s32 $0x6;
	s23 =	simm.s32 $0x7  }
0x8: {  	s24 =	simm.s32 $0x0;
	[smem:$0x7FF] =	sst s2;
	s4 =	sshll.u32 s3, $0x4  }
0x9: {  	s31 =	sshll.u32 s3, $0xB;
	s13 =	sand.u32 $0x1, s5;
	s7 =	smul.u32 $0x7D000, s3  }
0xa: {  	s5 =	sadd.s32 $0x1492E00, s6;
	p0 =	sne.s32 s3, $0x0;
	p2 =	sgt.u32 s3, $0x9  }
0xb: {  	p3 =	slt.u32 s3, $0xA;
	_ =	strace $0x8000004A;
	s10 =	sadd.s32 s4, s6  }
0xc: {  	s11 =	sadd.s32 s31, s6;
	s4 =	sadd.s32 $0xAA00, s6;
	s8 =	ssub.s32 $0x2, s13  }
.Ltmp0:
0xd: {  	s6 =	sadd.s32 $0x14BA000, s6;
	s12 =	sshrl.u32 @!p0 s1, $0x3;
	(pc) =	sbr.rel .LBB2_1-.Ltmp0, $4  }
0xe: {  	p1 =	sne.s32 s13, $0x0;
	s13 =	simm.s32 $0x100;
	s9 =	sshrl.u32 s8, $0x1  }
0xf: {  	s7 =	sshrl.u32 s7, $0x2;
	s10 =	sadd.s32 $0x3FE00, s10;
	s8 =	ssub.s32 s8, s9  }
0x10: {  	s22 =	sadd.s32 s7, s1;
	s7 =	smul.u32 $0x3E80, s3;
	s9 =	sadd.s32 $0x235CE00, s11  }
0x11: {  	s11 =	sadd.s32 $0x1E6CE00, s11;
	s8 =	smax.u32 s8, $0x1;
	s22 =	sshrl.u32 s22, $0x3  }
.LBB2_8:
0x12: {  	s26 =	sshll.u32 s3, $0x6  }
0x13: {  	s25 =	sadd.s32 s25, s7;
	s26 =	sor.u32 $0x1C07, s26  }
0x14: {  	[hbm:s25], [sflag:s26] =	dma.local [spmem:s22], $0x3E80  }
0x15: {  	_ =	swait.ge [sflag:s23], $0x3E80  }
0x16: {  	[sflag:s23] =	ssyncset.done $0x0  }
0x17: {  	[sflag:s23] =	ssyncadd.s32 $0xFFFFC180  }
.LBB2_9:
0x18: {  	s24 =	sadd.s32 $0x1, s24  }
0x19: {  	p4 =	sne.s32 s24, s8  }
.Ltmp1:
0x1a: {  	_ = 	snop;
	(pc) =	sbr.rel @!p4 .LBB2_10-.Ltmp1, $1  }
0x1b: {  	_ =	sdelay $0x3  }
.LBB2_1:
0x1c: {  	s25 =	simm.s32 @!p0 $0x1C07  }
0x1d: {  	[spmem:s12], [sflag:s25] =	dma.local @!p0 [hbm:s4], $0x27180  }
0x1e: {  	s25 =	simm.s32 @!p0 $0x7  }
.Ltmp2:
0x1f: {  	_ =	swait.ge @!p0 [sflag:s25], $0x27180;
	(pc) =	sbr.rel @p1 .LBB2_5-.Ltmp2, $4  }
0x20: {  	[sflag:s25] =	ssyncset.done @!p0 $0x0  }
0x21: {  	[sflag:s25] =	ssyncadd.s32 @!p0 $0xFFFD8E80  }
0x22: {  	[bflag:$0x0] =	sbarrier.arrive $0xFFFF  }
0x23: {  	s25 =	sadd.s32 $0x0, s10  }
0x24: {  	[tilespmem:s2], [sflag:$0x1] =	stream.linear.gather [hbm4b:s25+s2], $0x80, $0x38;
	[tilespmem:$0x1B9C0] =	vst v63  }
0x25: {  	s26 =	sadd.s32 $0xFFFF8000, s11  }
0x26: {  	[tilespmem:s13], [sflag:$0x3] =	stream.linear.gather [hbm4b:s26+s2], $0x4000, $0x38;
	[tilespmem:$0x1B9C0] =	vst v63  }
0x27: {  	s31 =	sadd.s32 $0x100, s25  }
0x28: {  	[tilespmem:s14], [sflag:$0x2] =	stream.linear.gather [hbm4b:s31+s2], $0x80, $0x38;
	[tilespmem:$0x1B9C0] =	vst v63  }
0x29: {  	_ = 	snop  }
0x2a: {  	[tilespmem:s15], [sflag:$0x4] =	stream.linear.gather [hbm4b:s11+s2], $0x4000, $0x38;
	[tilespmem:$0x1B9C0] =	vst v63  }
0x2b: {  	_ =	swait.ge [sflag:s16], $0x80  }
0x2c: {  	[sflag:s16] =	ssyncset.done $0x0  }
0x2d: {  	[sflag:s16] =	ssyncadd.s32 $0xFFFFFF80  }
0x2e: {  	_ =	swait.ge [sflag:s17], $0x4000  }
0x2f: {  	[sflag:s17] =	ssyncset.done $0x0  }
0x30: {  	[sflag:s17] =	ssyncadd.s32 $0xFFFFC000  }
0x31: {  	[spmem:s1] =	stream.indirect.scatter.add.f32 [tilespmem:s13], [sflag:$0x5], $0x80, s2, s14, $0xb8;
	[tilespmem:$0x1B9C0] =	vst v63  }
0x32: {  	_ =	swait.ge [sflag:s18], $0x80  }
0x33: {  	[sflag:s18] =	ssyncset.done $0x0  }
0x34: {  	[sflag:s18] =	ssyncadd.s32 $0xFFFFFF80  }
0x35: {  	_ =	swait.ge [sflag:s19], $0x4000  }
0x36: {  	[sflag:s19] =	ssyncset.done $0x0  }
0x37: {  	[sflag:s19] =	ssyncadd.s32 $0xFFFFC000  }
0x38: {  	[spmem:s1] =	stream.indirect.scatter.add.f32 [tilespmem:s15], [sflag:$0x6], $0x80, s14, s14, $0xb8;
	[tilespmem:$0x1B9C0] =	vst v63  }
0x39: {  	_ =	swait.ge [sflag:s20], $0x4000  }
0x3a: {  	[sflag:s20] =	ssyncset.done $0x0  }
0x3b: {  	[sflag:s20] =	ssyncadd.s32 $0xFFFFC000  }
0x3c: {  	s28 =	simm.s32 $0x400;
	_ =	swait.ge [sflag:s21], $0x4000  }
0x3d: {  	s25 =	sadd.s32 $0x10000, s11;
	s26 =	simm.s32 $0x200;
	[sflag:s21] =	ssyncset.done $0x0  }
.LBB2_3:
0x3e: {  	s29 =	sadd.s32 s26, s10  }
0x3f: {  	[sflag:s21] =	ssyncadd.s32 $0xFFFFC000;
	s26 =	smov.u32 s28;
	s30 =	sadd.s32 $0x200, s28  }
0x40: {  	[tilespmem:s2], [sflag:$0x1] =	stream.linear.gather [hbm4b:s29+s2], $0x80, $0x38;
	[tilespmem:$0x1B9C0] =	vst v63  }
0x41: {  	p4 =	seq.s32 s28, $0x9C00;
	s28 =	sadd.s32 $0xFFFF8000, s25  }
0x42: {  	[tilespmem:s13], [sflag:$0x3] =	stream.linear.gather [hbm4b:s28+s2], $0x4000, $0x38;
	[tilespmem:$0x1B9C0] =	vst v63  }
0x43: {  	s28 =	sadd.s32 $0x100, s29  }
0x44: {  	[tilespmem:s14], [sflag:$0x2] =	stream.linear.gather [hbm4b:s28+s2], $0x80, $0x38;
	[tilespmem:$0x1B9C0] =	vst v63  }
0x45: {  	_ = 	snop  }
0x46: {  	[tilespmem:s15], [sflag:$0x4] =	stream.linear.gather [hbm4b:s25+s2], $0x4000, $0x38;
	[tilespmem:$0x1B9C0] =	vst v63  }
0x47: {  	_ =	swait.ge [sflag:s16], $0x80  }
0x48: {  	[sflag:s16] =	ssyncset.done $0x0  }
0x49: {  	[sflag:s16] =	ssyncadd.s32 $0xFFFFFF80  }
0x4a: {  	_ =	swait.ge [sflag:s17], $0x4000  }
0x4b: {  	[sflag:s17] =	ssyncset.done $0x0  }
0x4c: {  	[sflag:s17] =	ssyncadd.s32 $0xFFFFC000  }
0x4d: {  	[spmem:s1] =	stream.indirect.scatter.add.f32 [tilespmem:s13], [sflag:$0x5], $0x80, s2, s14, $0xb8;
	[tilespmem:$0x1B9C0] =	vst v63  }
0x4e: {  	_ =	swait.ge [sflag:s18], $0x80  }
0x4f: {  	[sflag:s18] =	ssyncset.done $0x0  }
0x50: {  	[sflag:s18] =	ssyncadd.s32 $0xFFFFFF80  }
0x51: {  	_ =	swait.ge [sflag:s19], $0x4000  }
0x52: {  	[sflag:s19] =	ssyncset.done $0x0  }
0x53: {  	[sflag:s19] =	ssyncadd.s32 $0xFFFFC000  }
0x54: {  	[spmem:s1] =	stream.indirect.scatter.add.f32 [tilespmem:s15], [sflag:$0x6], $0x80, s14, s14, $0xb8;
	[tilespmem:$0x1B9C0] =	vst v63  }
.Ltmp3:
0x55: {  	_ =	swait.ge [sflag:s20], $0x4000;
	(pc) =	sbr.rel @!p4 .LBB2_3-.Ltmp3, $4  }
0x56: {  	[sflag:s20] =	ssyncset.done $0x0  }
0x57: {  	[sflag:s20] =	ssyncadd.s32 $0xFFFFC000  }
0x58: {  	_ =	swait.ge [sflag:s21], $0x4000  }
0x59: {  	s28 =	smov.u32 s30;
	s25 =	sadd.s32 $0x10000, s25;
	[sflag:s21] =	ssyncset.done $0x0  }
0x5a: {  	s26 =	sadd.s32 s26, s10;
	[sflag:s21] =	ssyncadd.s32 $0xFFFFC000  }
0x5b: {  	[tilespmem:s2], [sflag:$0x1] =	stream.linear.gather [hbm4b:s26+s2], $0x80, $0x38;
	[tilespmem:$0x1B9C0] =	vst v63  }
0x5c: {  	s28 =	sadd.s32 $0xFFFF8000, s25  }
0x5d: {  	[tilespmem:s13], [sflag:$0x3] =	stream.linear.gather [hbm4b:s28+s2], $0x4000, $0x38;
	[tilespmem:$0x1B9C0] =	vst v63  }
0x5e: {  	s26 =	sadd.s32 $0x100, s26  }
0x5f: {  	[tilespmem:s14], [sflag:$0x2] =	stream.linear.gather [hbm4b:s26+s2], $0x80, $0x38;
	[tilespmem:$0x1B9C0] =	vst v63  }
0x60: {  	_ = 	snop  }
0x61: {  	[tilespmem:s15], [sflag:$0x4] =	stream.linear.gather [hbm4b:s25+s2], $0x4000, $0x38;
	[tilespmem:$0x1B9C0] =	vst v63  }
0x62: {  	_ =	swait.ge [sflag:s16], $0x80  }
0x63: {  	[sflag:s16] =	ssyncset.done $0x0  }
0x64: {  	[sflag:s16] =	ssyncadd.s32 $0xFFFFFF80  }
0x65: {  	_ =	swait.ge [sflag:s17], $0x4000  }
0x66: {  	[sflag:s17] =	ssyncset.done $0x0  }
0x67: {  	[sflag:s17] =	ssyncadd.s32 $0xFFFFC000  }
0x68: {  	[spmem:s1] =	stream.indirect.scatter.add.f32 [tilespmem:s13], [sflag:$0x5], $0x80, s2, s14, $0xb8;
	[tilespmem:$0x1B9C0] =	vst v63  }
0x69: {  	_ =	swait.ge [sflag:s18], $0x80  }
0x6a: {  	[sflag:s18] =	ssyncset.done $0x0  }
0x6b: {  	[sflag:s18] =	ssyncadd.s32 $0xFFFFFF80  }
0x6c: {  	_ =	swait.ge [sflag:s19], $0x4000  }
0x6d: {  	[sflag:s19] =	ssyncset.done $0x0  }
0x6e: {  	[sflag:s19] =	ssyncadd.s32 $0xFFFFC000  }
0x6f: {  	[spmem:s1] =	stream.indirect.scatter.add.f32 [tilespmem:s15], [sflag:$0x6], $0x80, s14, s14, $0xb8;
	[tilespmem:$0x1B9C0] =	vst v63  }
0x70: {  	_ =	swait.ge [sflag:s20], $0x4000  }
0x71: {  	[sflag:s20] =	ssyncset.done $0x0  }
0x72: {  	[sflag:s20] =	ssyncadd.s32 $0xFFFFC000  }
.Ltmp4:
0x73: {  	_ =	swait.ge [sflag:s21], $0x4000;
	(pc) =	sbr.rel @p2 .LBB2_9-.Ltmp4, $4  }
.Ltmp5:
0x74: {  	[sflag:s21] =	ssyncset.done $0x0;
	(pc) =	sbr.rel @!p2 .LBB2_8-.Ltmp5, $4  }
0x75: {  	[sflag:s21] =	ssyncadd.s32 $0xFFFFC000  }
0x76: {  	[bflag:$0x0] =	sbarrier.arrive $0xFFFF  }
0x77: {  	s25 =	smov.u32 s5  }
0x78: {  	_ = 	snop  }
.LBB2_5:
0x79: {  	[tilespmem:s2], [sflag:$0x1] =	stream.linear.gather [hbm4b:s25+s2], $0x80, $0x38;
	[tilespmem:$0x1B9C0] =	vst v63  }
0x7a: {  	s26 =	sadd.s32 $0xFFFF8000, s9  }
0x7b: {  	[tilespmem:s13], [sflag:$0x3] =	stream.linear.gather [hbm4b:s26+s2], $0x4000, $0x38;
	[tilespmem:$0x1B9C0] =	vst v63  }
0x7c: {  	s31 =	sadd.s32 $0x100, s25  }
0x7d: {  	[tilespmem:s14], [sflag:$0x2] =	stream.linear.gather [hbm4b:s31+s2], $0x80, $0x38;
	[tilespmem:$0x1B9C0] =	vst v63  }
0x7e: {  	_ = 	snop  }
0x7f: {  	[tilespmem:s15], [sflag:$0x4] =	stream.linear.gather [hbm4b:s9+s2], $0x4000, $0x38;
	[tilespmem:$0x1B9C0] =	vst v63  }
0x80: {  	_ =	swait.ge [sflag:s16], $0x80  }
0x81: {  	[sflag:s16] =	ssyncset.done $0x0  }
0x82: {  	[sflag:s16] =	ssyncadd.s32 $0xFFFFFF80  }
0x83: {  	_ =	swait.ge [sflag:s17], $0x4000  }
0x84: {  	[sflag:s17] =	ssyncset.done $0x0  }
0x85: {  	[sflag:s17] =	ssyncadd.s32 $0xFFFFC000  }
0x86: {  	[spmem:s1] =	stream.indirect.scatter.add.f32 [tilespmem:s13], [sflag:$0x5], $0x80, s2, s14, $0xb8;
	[tilespmem:$0x1B9C0] =	vst v63  }
0x87: {  	_ =	swait.ge [sflag:s18], $0x80  }
0x88: {  	[sflag:s18] =	ssyncset.done $0x0  }
0x89: {  	[sflag:s18] =	ssyncadd.s32 $0xFFFFFF80  }
0x8a: {  	_ =	swait.ge [sflag:s19], $0x4000  }
0x8b: {  	[sflag:s19] =	ssyncset.done $0x0  }
0x8c: {  	[sflag:s19] =	ssyncadd.s32 $0xFFFFC000  }
0x8d: {  	[spmem:s1] =	stream.indirect.scatter.add.f32 [tilespmem:s15], [sflag:$0x6], $0x80, s14, s14, $0xb8;
	[tilespmem:$0x1B9C0] =	vst v63  }
0x8e: {  	_ =	swait.ge [sflag:s20], $0x4000  }
0x8f: {  	[sflag:s20] =	ssyncset.done $0x0  }
0x90: {  	[sflag:s20] =	ssyncadd.s32 $0xFFFFC000  }
0x91: {  	s28 =	simm.s32 $0x400;
	_ =	swait.ge [sflag:s21], $0x4000  }
0x92: {  	s25 =	sadd.s32 $0x10000, s9;
	s26 =	simm.s32 $0x200;
	[sflag:s21] =	ssyncset.done $0x0  }
.LBB2_6:
0x93: {  	s29 =	sadd.s32 s26, s10  }
0x94: {  	[sflag:s21] =	ssyncadd.s32 $0xFFFFC000;
	s26 =	smov.u32 s28;
	s30 =	sadd.s32 $0x200, s28  }
0x95: {  	[tilespmem:s2], [sflag:$0x1] =	stream.linear.gather [hbm4b:s29+s2], $0x80, $0x38;
	[tilespmem:$0x1B9C0] =	vst v63  }
0x96: {  	p4 =	sne.s32 s28, $0x9C00;
	s28 =	sadd.s32 $0xFFFF8000, s25  }
0x97: {  	[tilespmem:s13], [sflag:$0x3] =	stream.linear.gather [hbm4b:s28+s2], $0x4000, $0x38;
	[tilespmem:$0x1B9C0] =	vst v63  }
0x98: {  	s28 =	sadd.s32 $0x100, s29  }
0x99: {  	[tilespmem:s14], [sflag:$0x2] =	stream.linear.gather [hbm4b:s28+s2], $0x80, $0x38;
	[tilespmem:$0x1B9C0] =	vst v63  }
0x9a: {  	_ = 	snop  }
0x9b: {  	[tilespmem:s15], [sflag:$0x4] =	stream.linear.gather [hbm4b:s25+s2], $0x4000, $0x38;
	[tilespmem:$0x1B9C0] =	vst v63  }
0x9c: {  	_ =	swait.ge [sflag:s16], $0x80  }
0x9d: {  	[sflag:s16] =	ssyncset.done $0x0  }
0x9e: {  	[sflag:s16] =	ssyncadd.s32 $0xFFFFFF80  }
0x9f: {  	_ =	swait.ge [sflag:s17], $0x4000  }
0xa0: {  	[sflag:s17] =	ssyncset.done $0x0  }
0xa1: {  	[sflag:s17] =	ssyncadd.s32 $0xFFFFC000  }
0xa2: {  	[spmem:s1] =	stream.indirect.scatter.add.f32 [tilespmem:s13], [sflag:$0x5], $0x80, s2, s14, $0xb8;
	[tilespmem:$0x1B9C0] =	vst v63  }
0xa3: {  	_ =	swait.ge [sflag:s18], $0x80  }
0xa4: {  	[sflag:s18] =	ssyncset.done $0x0  }
0xa5: {  	[sflag:s18] =	ssyncadd.s32 $0xFFFFFF80  }
0xa6: {  	_ =	swait.ge [sflag:s19], $0x4000  }
0xa7: {  	[sflag:s19] =	ssyncset.done $0x0  }
0xa8: {  	[sflag:s19] =	ssyncadd.s32 $0xFFFFC000  }
0xa9: {  	[spmem:s1] =	stream.indirect.scatter.add.f32 [tilespmem:s15], [sflag:$0x6], $0x80, s14, s14, $0xb8;
	[tilespmem:$0x1B9C0] =	vst v63  }
.Ltmp6:
0xaa: {  	_ =	swait.ge [sflag:s20], $0x4000;
	(pc) =	sbr.rel @p4 .LBB2_6-.Ltmp6, $4  }
0xab: {  	[sflag:s20] =	ssyncset.done $0x0  }
0xac: {  	[sflag:s20] =	ssyncadd.s32 $0xFFFFC000  }
0xad: {  	_ =	swait.ge [sflag:s21], $0x4000  }
0xae: {  	s28 =	smov.u32 s30;
	s25 =	sadd.s32 $0x10000, s25;
	[sflag:s21] =	ssyncset.done $0x0  }
0xaf: {  	s26 =	sadd.s32 s26, s10;
	[sflag:s21] =	ssyncadd.s32 $0xFFFFC000  }
0xb0: {  	[tilespmem:s2], [sflag:$0x1] =	stream.linear.gather [hbm4b:s26+s2], $0x80, $0x38;
	[tilespmem:$0x1B9C0] =	vst v63  }
0xb1: {  	s28 =	sadd.s32 $0xFFFF8000, s25  }
0xb2: {  	[tilespmem:s13], [sflag:$0x3] =	stream.linear.gather [hbm4b:s28+s2], $0x4000, $0x38;
	[tilespmem:$0x1B9C0] =	vst v63  }
0xb3: {  	s26 =	sadd.s32 $0x100, s26  }
0xb4: {  	[tilespmem:s14], [sflag:$0x2] =	stream.linear.gather [hbm4b:s26+s2], $0x80, $0x38;
	[tilespmem:$0x1B9C0] =	vst v63  }
0xb5: {  	_ = 	snop  }
0xb6: {  	[tilespmem:s15], [sflag:$0x4] =	stream.linear.gather [hbm4b:s25+s2], $0x4000, $0x38;
	[tilespmem:$0x1B9C0] =	vst v63  }
0xb7: {  	_ =	swait.ge [sflag:s16], $0x80  }
0xb8: {  	[sflag:s16] =	ssyncset.done $0x0  }
0xb9: {  	[sflag:s16] =	ssyncadd.s32 $0xFFFFFF80  }
0xba: {  	_ =	swait.ge [sflag:s17], $0x4000  }
0xbb: {  	[sflag:s17] =	ssyncset.done $0x0  }
0xbc: {  	[sflag:s17] =	ssyncadd.s32 $0xFFFFC000  }
0xbd: {  	[spmem:s1] =	stream.indirect.scatter.add.f32 [tilespmem:s13], [sflag:$0x5], $0x80, s2, s14, $0xb8;
	[tilespmem:$0x1B9C0] =	vst v63  }
0xbe: {  	_ =	swait.ge [sflag:s18], $0x80  }
0xbf: {  	[sflag:s18] =	ssyncset.done $0x0  }
0xc0: {  	[sflag:s18] =	ssyncadd.s32 $0xFFFFFF80  }
0xc1: {  	_ =	swait.ge [sflag:s19], $0x4000  }
0xc2: {  	[sflag:s19] =	ssyncset.done $0x0  }
0xc3: {  	[sflag:s19] =	ssyncadd.s32 $0xFFFFC000  }
0xc4: {  	[spmem:s1] =	stream.indirect.scatter.add.f32 [tilespmem:s15], [sflag:$0x6], $0x80, s14, s14, $0xb8;
	[tilespmem:$0x1B9C0] =	vst v63  }
0xc5: {  	_ =	swait.ge [sflag:s20], $0x4000  }
0xc6: {  	[sflag:s20] =	ssyncset.done $0x0  }
0xc7: {  	[sflag:s20] =	ssyncadd.s32 $0xFFFFC000  }
.Ltmp7:
0xc8: {  	_ =	swait.ge [sflag:s21], $0x4000;
	(pc) =	sbr.rel @!p3 .LBB2_9-.Ltmp7, $4  }
.Ltmp8:
0xc9: {  	[sflag:s21] =	ssyncset.done $0x0;
	(pc) =	sbr.rel @p3 .LBB2_8-.Ltmp8, $4  }
0xca: {  	[sflag:s21] =	ssyncadd.s32 $0xFFFFC000  }
0xcb: {  	[bflag:$0x0] =	sbarrier.arrive $0xFFFF  }
0xcc: {  	s25 =	smov.u32 s6  }
0xcd: {  	_ = 	snop  }
.LBB2_10:
0xce: {  	_ =	sfence.sel $0x180000  }
0xcf: {  	[bflag:$0x0] =	sbarrier.arrive $0xFFFF  }
0xd0: {  	_ =	strace $0x9000004A  }
0xd1: {  	s0 =	sadd.s32 @!p0 $0x100000, s0;
	[bflag:$0x2] =	sbarrier.arrive $0xFFFF  }
0xd2: {  	[sflag:s0] =	ssyncadd.tile.s32 @!p0 $0x1;
	_ =	shalt  }
.Lfunc_end2:
_tile_overlayer_lowered:
.L_overlay_start_2:
0xd3: {  	(tag) =	ssettag $0x2  }
0xd4: {  	s0 =	rddreg [dreg:$0x0];
	s2 =	stileid.u32  }
0xd5: {  	s1 =	rddreg [dreg:$0x1];
	p0 =	sne.s32 s2, $0x0  }
0xd6: {  	s3 =	rddreg [dreg:$0x2];
	[bflag:$0x3] =	sbarrier.arrive $0xFFFF;
	s2 =	simm.s32 @!p0 $0x1C07  }
0xd7: {  	[timem:s3], [sflag:s2] =	dma.local @!p0 [hbm:s0], s1  }
0xd8: {  	s0 =	simm.s32 @!p0 $0x7  }
0xd9: {  	_ =	swait.ge @!p0 [sflag:s0], s1  }
0xda: {  	s1 =	ssub.s32 @!p0 $0x0, s1;
	[sflag:s0] =	ssyncset.done @!p0 $0x0  }
0xdb: {  	[sflag:s0] =	ssyncadd.s32 @!p0 s1  }
0xdc: {  	[bflag:$0x3] =	sbarrier.arrive $0xFFFF  }
0xdd: {  	_ =	shalt  }

// kernel: kernel.9.cloned.1.call-start
scs
__scs_entry_jumppad:
0x0: {  	(pc) =	sbr.rel $0x88, $3  }
0x1: {  	(tag) =	ssettag $0x0;
	lr =	simm.s32 $0x1  }
0x2: {  	[smem:$0x3F7A] =	sst lr;
	_ =	strace $0xD0000000  }
0x3: {  	_ = 	snop  }
0x4: {  	_ = 	snop  }
0x5: {  	_ = 	snop  }
0x6: {  	_ = 	snop  }
0x7: {  	_ = 	snop  }
__scs_overlays_trampoline_lowered:
0x8: {  	[smem:$0x3F89] =	sst s0  }
0x9: {  	[smem:$0x3F8A] =	sst s1  }
0xa: {  	[smem:$0x3F8B] =	sst s2  }
0xb: {  	[smem:$0x3F8C] =	sst s3  }
0xc: {  	[smem:$0x3F8D] =	sst s4  }
0xd: {  	[smem:$0x3F8E] =	sst s5  }
0xe: {  	[smem:$0x3F8F] =	sst s6  }
0xf: {  	[smem:$0x3F90] =	sst s7  }
0x10: {  	[smem:$0x3F91] =	sst s8  }
0x11: {  	[smem:$0x3F92] =	sst s9;
	s0 =	simm.s32 @!p0 $0x0  }
0x12: {  	s1 =	sld [smem:$0x3F78];
	s0 =	simm.s32 @p0 $0x1  }
0x13: {  	[smem:$0x3F93] =	sst s0;
	s0 =	simm.s32 @!p1 $0x0  }
0x14: {  	s2 =	sld [smem:$0x3F77];
	s0 =	simm.s32 @p1 $0x1  }
0x15: {  	[smem:$0x3F94] =	sst s0;
	s0 =	simm.s32 @!p2 $0x0  }
0x16: {  	s3 =	sld [smem:$0x3FDB];
	s0 =	simm.s32 @p2 $0x1  }
0x17: {  	s4 =	simm.s32 $0x1BF5;
	[smem:$0x3F96] =	sst s0  }
0x18: {  	s0 =	sld [smem:$0x3F79];
	_ =	swait.ge [sflag:s4], $0x0  }
0x19: {  	s7 =	sld [smem:$0x3F7A]  }
0x1a: {  	s8 =	sadd.s32 $0xFFFFE003, lr  }
0x1b: {  	s9 =	sadd.s32 $0xFFFFFEF7, lr;
	s5 =	simm.s32 $0xFFFFFFFF;
	p2 =	slt.u32 s8, $0xFFFFF086  }
0x1c: {  	p1 =	slt.u32 s9, $0xF7A;
	s5 =	simm.s32 @!p2 $0x0  }
0x1d: {  	s5 =	simm.s32 @p1 $0x1;
	p0 =	seq.s32 s7, s2  }
0x1e: {  	s7 =	smul.u32 @!p0 $0xF7A, s2;
	p2 =	seq.s32 @!p0 s5, $0x0  }
0x1f: {  	s9 =	smul.u32 $0xF7A, s1;
	s8 =	simm.s32 @!p0 $0x1BF5;
	p2 =	por !p2, p0  }
0x20: {  	[sflag:s8] =	ssyncset.s32 @!p0 $0xFFFFF086;
	s6 =	sadd.s32 @!p0 s3, s7;
	s7 =	simm.s32 @!p0 $0x108  }
0x21: {  	s3 =	sadd.s32 s3, s9;
	s6 =	sadd.s32 @!p0 $0x88, s6;
	s7 =	simm.s32 @p2 $0x1082  }
0x22: {  	[simem:s7], [sflag:s8] =	dma.local @!p0 [hbm:s6], $0xF7A  }
0x23: {  	s9 =	sor.u32 $0xD0000000, s2;
	s6 =	simm.s32 $0x108;
	_ =	swait.ge @!p0 [sflag:s8], $0x0  }
0x24: {  	s3 =	sadd.s32 $0x88, s3;
	s6 =	simm.s32 @!p1 $0x1082;
	[sflag:s4] =	ssyncset.s32 $0xFFFFF086  }
0x25: {  	[simem:s6], [sflag:s4] =	dma.local [hbm:s3], $0xF7A  }
0x26: {  	[smem:$0x3F7A] =	sst s1;
	(tag) =	ssettag s2;
	_ =	strace s9  }
0x27: {  	s1 =	sld [smem:$0x3F8A]  }
0x28: {  	s2 =	sld [smem:$0x3F8B]  }
0x29: {  	s4 =	sld [smem:$0x3F8D]  }
0x2a: {  	p0 =	seq.s32 s5, $0x0;
	s5 =	sld [smem:$0x3F8E]  }
0x2b: {  	s6 =	sld [smem:$0x3F8F]  }
0x2c: {  	s7 =	sld [smem:$0x3F90]  }
0x2d: {  	s3 =	simm.s32 $0x108;
	s8 =	sld [smem:$0x3F91]  }
0x2e: {  	s3 =	simm.s32 @!p0 $0x1082;
	s9 =	sld [smem:$0x3F92]  }
0x2f: {  	lr =	sadd.s32 s0, s3;
	s0 =	sld [smem:$0x3F89]  }
0x30: {  	s3 =	sld [smem:$0x3F8C]  }
0x31: {  	[smem:$0x3F95] =	sst s10  }
0x32: {  	s10 =	sld [smem:$0x3F93];
	_ =	sdelay $0x3  }
0x33: {  	p0 =	seq.s32 s10, $0x1;
	s10 =	sld [smem:$0x3F95];
	_ =	sdelay $0x3  }
0x34: {  	[smem:$0x3F95] =	sst s10  }
0x35: {  	s10 =	sld [smem:$0x3F94];
	_ =	sdelay $0x3  }
0x36: {  	p1 =	seq.s32 s10, $0x1;
	s10 =	sld [smem:$0x3F95];
	_ =	sdelay $0x3  }
0x37: {  	[smem:$0x3F95] =	sst s10  }
0x38: {  	s10 =	sld [smem:$0x3F96]  }
0x39: {  	_ = 	snop;
	(pc) =	sbr.ind lr, $3  }
0x3a: {  	_ = 	snop  }
0x3b: {  	_ = 	snop  }
0x3c: {  	p2 =	seq.s32 s10, $0x1;
	s10 =	sld [smem:$0x3F95]  }
0x3d: {  	_ =	shalt  }
0x3e: {  	_ =	shalt  }
0x3f: {  	_ =	shalt  }
0x40: {  	_ =	shalt  }
0x41: {  	_ =	shalt  }
0x42: {  	_ =	shalt  }
0x43: {  	_ =	shalt  }
0x44: {  	_ =	shalt  }
0x45: {  	_ =	shalt  }
0x46: {  	_ =	shalt  }
0x47: {  	_ =	shalt  }
0x48: {  	_ =	shalt  }
0x49: {  	_ =	shalt  }
0x4a: {  	_ =	shalt  }
0x4b: {  	_ =	shalt  }
0x4c: {  	_ =	shalt  }
0x4d: {  	_ =	shalt  }
0x4e: {  	_ =	shalt  }
0x4f: {  	_ =	shalt  }
0x50: {  	_ =	shalt  }
0x51: {  	_ =	shalt  }
0x52: {  	_ =	shalt  }
0x53: {  	_ =	shalt  }
0x54: {  	_ =	shalt  }
0x55: {  	_ =	shalt  }
0x56: {  	_ =	shalt  }
0x57: {  	_ =	shalt  }
0x58: {  	_ =	shalt  }
0x59: {  	_ =	shalt  }
0x5a: {  	_ =	shalt  }
0x5b: {  	_ =	shalt  }
0x5c: {  	_ =	shalt  }
0x5d: {  	_ =	shalt  }
0x5e: {  	_ =	shalt  }
0x5f: {  	_ =	shalt  }
0x60: {  	_ =	shalt  }
0x61: {  	_ =	shalt  }
0x62: {  	_ =	shalt  }
0x63: {  	_ =	shalt  }
0x64: {  	_ =	shalt  }
0x65: {  	_ =	shalt  }
0x66: {  	_ =	shalt  }
0x67: {  	_ =	shalt  }
0x68: {  	_ =	shalt  }
0x69: {  	_ =	shalt  }
0x6a: {  	_ =	shalt  }
0x6b: {  	_ =	shalt  }
0x6c: {  	_ =	shalt  }
0x6d: {  	_ =	shalt  }
0x6e: {  	_ =	shalt  }
0x6f: {  	_ =	shalt  }
0x70: {  	_ =	shalt  }
0x71: {  	_ =	shalt  }
0x72: {  	_ =	shalt  }
0x73: {  	_ =	shalt  }
0x74: {  	_ =	shalt  }
0x75: {  	_ =	shalt  }
0x76: {  	_ =	shalt  }
0x77: {  	_ =	shalt  }
0x78: {  	_ =	shalt  }
0x79: {  	_ =	shalt  }
0x7a: {  	_ =	shalt  }
0x7b: {  	_ =	shalt  }
0x7c: {  	_ =	shalt  }
0x7d: {  	_ =	shalt  }
0x7e: {  	_ =	shalt  }
0x7f: {  	_ =	shalt  }
0x80: {  	_ =	shalt  }
0x81: {  	_ =	shalt  }
0x82: {  	_ =	shalt  }
0x83: {  	_ =	shalt  }
0x84: {  	_ =	shalt  }
0x85: {  	_ =	shalt  }
0x86: {  	_ =	shalt  }
0x87: {  	_ =	shalt  }
.Lfunc_end0:
.L_simem_size_0:
called_computation_lowered:
.L_overlay_start_0:
0x88: {  	s2 =	sld [smem:$0x3FD9]  }
0x89: {  	s3 =	sld [smem:$0x3FFE];
	_ =	sdelay $0x1  }
0x8a: {  	s1 =	srdreg.scid  }
0x8b: {  	s0 =	sand.u32 $0x1, s1  }
0x8c: {  	s16 =	sshll.u32 s0, $0xA;
	s2 =	sadd.s32 s3, s2  }
0x8d: {  	s2 =	sadd.s32 s2, s16  }
0x8e: {  	[smem:$0x3FA1] =	sst s2  }
0x8f: {  	_ = 	snop  }
0x90: {  	(tm) =	ssettm $0x1  }
0x91: {  	s17 =	sld [smem:$0x3FFB];
	_ =	sdelay $0x3  }
0x92: {  	_ =	strace s17  }
0x93: {  	s2 =	sld [smem:$0x3FFC];
	_ =	sdelay $0x3  }
0x94: {  	_ =	strace s2  }
0x95: {  	s2 =	sld [smem:$0x3FFD];
	_ =	sdelay $0x3  }
0x96: {  	_ =	strace s2  }
0x97: {  	_ =	strace $0x8FFFFFFF  }
0x98: {  	s18 =	sld [smem:$0x3FDB];
	_ =	sdelay $0x1  }
0x99: {  	s19 =	simm.s32 $_scs_section_size  }
0x9a: {  	s4 =	simm.s32 $_size__tile_overlayer_lowered;
	s5 =	simm.s32 $_tile_overlayer_lowered  }
0x9b: {  	s22 =	simm.s32 $0x1BFF;
	s21 =	sshll.u32 s5, $0x1;
	s2 =	sadd.s32 s19, s18  }
0x9c: {  	s6 =	simm.s32 $0x0;
	s20 =	sshll.u32 s4, $0x1;
	s4 =	sadd.s32 s21, s2  }
0x9d: {  	[timem:s6], [sflag:s22] =	dma.local [hbm:s4], s20  }
0x9e: {  	_ =	swait.ge [sflag:s22], s20  }
0x9f: {  	s3 =	ssub.s32 $0x0, s20;
	[sflag:s22] =	ssyncset.done $0x0  }
0xa0: {  	[sflag:s22] =	ssyncadd.s32 s3;
	_ =	sdelay $0x1  }
0xa1: {  	s23 =	simm.s32 $0x1B8B  }
0xa2: {  	_ =	swait.ge [sflag:s23], $0x1  }
0xa3: {  	[sflag:s23] =	ssyncset.done $0x0  }
0xa4: {  	s25 =	simm.s32 $0x1B8E;
	s24 =	sld [smem:$0x3FFE];
	[sflag:s23] =	ssyncadd.s32 $0xFFFFFFFF  }
0xa5: {  	s26 =	simm.s32 $execute0_lowered;
	[smem:$0x3FD2] =	sst s25  }
0xa6: {  	s4 =	sshll.u32 s26, $0x1;
	_ =	strace $0x80000046;
	[dreg:$0x1] =	wrdreg $0xFFFFFFFF  }
0xa7: {  	s28 =	simm.s32 $_size_execute0_lowered;
	s2 =	sadd.s32 s2, s4;
	[dreg:$0x0] =	wrdreg $0x0  }
0xa8: {  	s4 =	sshll.u32 s28, $0x1;
	[dreg:$0x2] =	wrdreg s2  }
0xa9: {  	[dreg:$0x3] =	wrdreg s4  }
0xaa: {  	[dreg:$0x4] =	wrdreg $0xC0  }
0xab: {  	_ =	task [dreg:s6], $0x5FFFF  }
0xac: {  	[dreg:$0x1] =	wrdreg $0xFFFFFFFF  }
0xad: {  	[dreg:$0x0] =	wrdreg $0x60  }
0xae: {  	[dreg:$0x2] =	wrdreg s24  }
0xaf: {  	[dreg:$0x3] =	wrdreg $0x9  }
0xb0: {  	_ =	task.clear_ibuf [dreg:s6], $0x4FFFF;
	_ =	strace $0x90000046  }
0xb1: {  	s29 =	simm.s32 $0x9;
	_ =	strace $0x80000048  }
0xb2: {  	_ =	swait.ge [sflag:s29], $0x1  }
0xb3: {  	[sflag:s29] =	ssyncadd.s32 $0xFFFFFFFF  }
0xb4: {  	_ =	strace $0x90000048  }
0xb5: {  	_ =	sfence  }
0xb6: {  	s30 =	sld [smem:$0x0];
	_ =	sdelay $0x2  }
0xb7: {  	s31 =	sshll.u32 s1, $0xD;
	s1 =	sshrl.u32 s1, $0x2  }
0xb8: {  	s3 =	sand.u32 $0x4000, s31;
	s1 =	sadd.s32 s1, s30  }
0xb9: {  	s0 =	sor.u32 s3, s0;
	s1 =	sshll.u32 s1, $0x11  }
0xba: {  	s0 =	sor.u32 s1, s0  }
0xbb: {  	s0 =	sadd.s32 $0x8F2B, s0  }
0xbc: {  	[sflag:s0] =	ssyncadd.remote.s32 $0x1  }
0xbd: {  	_ =	sfence.sel $0xFFFF  }
0xbe: {  	[dreg:$0x0] =	wrdreg $0xFFFFFFFF;
	(pc) =	sbr.abs _section_cstart, $3  }
0xbf: {  	[dreg:$0x1] =	wrdreg $0xFFFFFFFF  }
0xc0: {  	_ =	task.clear_ibuf [dreg:s6], $0x2FFFF;
	_ =	strace $0x9FFFFFFF  }
0xc1: {  	(tm) =	ssettm $0x7FFFFFFF  }
tec
execute0_lowered:
.L_overlay_start_1:
0x0: {  	(tag) =	ssettag $0x1  }
0x1: {  	s0 =	rddreg [dreg:$0x0];
	s1 =	srdreg.scid  }
0x2: {  	s5 =	stileid.u32;
	s2 =	simm.s32 $0x0;
	s13 =	simm.s32 $0x5  }
0x3: {  	s14 =	simm.s32 $0x80;
	s15 =	simm.s32 $0x100;
	s16 =	simm.s32 $0x180  }
0x4: {  	s17 =	simm.s32 $0x200;
	s18 =	simm.s32 $0x4200;
	s19 =	simm.s32 $0x8200  }
0x5: {  	s20 =	simm.s32 $0xC200;
	s21 =	simm.s32 $0x1;
	s22 =	simm.s32 $0x2  }
0x6: {  	s23 =	simm.s32 $0x3;
	s24 =	simm.s32 $0x4;
	s1 =	sand.u32 $0x1, s1  }
0x7: {  	s3 =	sshll.u32 s5, $0x8;
	[smem:$0x7FF] =	sst s2;
	s25 =	sadd.s32 $0xABC00, s0  }
0x8: {  	s26 =	sadd.s32 $0xEE00, s0;
	_ =	strace $0x80000047;
	[dreg:$0x2] =	wrdreg s25  }
0x9: {  	s28 =	sadd.s32 $0x5D800, s0;
	s5 =	sshll.u32 s5, $0xC;
	[dreg:$0x3] =	wrdreg s26  }
0xa: {  	s4 =	sshll.u32 s1, $0x7;
	s29 =	ssub.s32 $0x2, s1;
	[dreg:$0x4] =	wrdreg s28  }
0xb: {  	s1 =	sshll.u32 s1, $0xB;
	s3 =	sor.u32 s4, s3;
	s6 =	sshrl.u32 s29, $0x1  }
0xc: {  	s25 =	simm.s32 $0x0;
	s3 =	sshrl.u32 s3, $0x3;
	s8 =	ssub.s32 s29, s6  }
0xd: {  	s7 =	sadd.s32 s3, s0;
	s3 =	sadd.s32 $0x84A00, s0;
	s0 =	sadd.s32 s5, s0  }
0xe: {  	s30 =	smax.u32 s8, $0x1;
	s4 =	sadd.s32 $0x3FE00, s7;
	s5 =	sadd.s32 $0x53A00, s7  }
0xf: {  	s6 =	sadd.s32 $0x36000, s7;
	s7 =	sadd.s32 $0x49C00, s7;
	s0 =	sadd.s32 s1, s0  }
0x10: {  	[dreg:$0x5] =	wrdreg s30;
	s31 =	sadd.s32 $0xAB2E00, s0;
	s10 =	sadd.s32 $0xFA2E00, s0  }
0x11: {  	s11 =	sadd.s32 $0xD2E00, s0;
	s12 =	sadd.s32 $0x5C2E00, s0;
	[dreg:$0x6] =	wrdreg s31  }
.LBB2_1:
0x12: {  	s0 =	sadd.s32 $0x0, s7  }
0x13: {  	[tilespmem:s2], [sflag:$0x5] =	stream.linear.gather [hbm4b:s0+s2], $0x80, $0x38;
	[tilespmem:$0x10200] =	vst v63  }
0x14: {  	_ =	swait.ge [sflag:s13], $0x80  }
0x15: {  	[sflag:s13] =	ssyncset.done $0x0  }
0x16: {  	s1 =	sadd.s32 $0x0, s6;
	[sflag:s13] =	ssyncadd.s32 $0xFFFFFF80  }
0x17: {  	[tilespmem:s14], [sflag:$0x5] =	stream.linear.gather [hbm4b:s1+s2], $0x80, $0x38;
	[tilespmem:$0x10200] =	vst v63  }
0x18: {  	_ =	swait.ge [sflag:s13], $0x80  }
0x19: {  	[sflag:s13] =	ssyncset.done $0x0  }
0x1a: {  	s8 =	sadd.s32 $0x0, s5;
	[sflag:s13] =	ssyncadd.s32 $0xFFFFFF80  }
0x1b: {  	[tilespmem:s15], [sflag:$0x5] =	stream.linear.gather [hbm4b:s8+s2], $0x80, $0x38;
	[tilespmem:$0x10200] =	vst v63  }
0x1c: {  	_ =	swait.ge [sflag:s13], $0x80  }
0x1d: {  	[sflag:s13] =	ssyncset.done $0x0  }
0x1e: {  	s9 =	sadd.s32 $0x0, s4;
	[sflag:s13] =	ssyncadd.s32 $0xFFFFFF80  }
0x1f: {  	[tilespmem:s16], [sflag:$0x5] =	stream.linear.gather [hbm4b:s9+s2], $0x80, $0x38;
	[tilespmem:$0x10200] =	vst v63  }
0x20: {  	_ =	swait.ge [sflag:s13], $0x80  }
0x21: {  	[sflag:s13] =	ssyncset.done $0x0  }
0x22: {  	s26 =	rddreg [dreg:$0x2];
	[sflag:s13] =	ssyncadd.s32 $0xFFFFFF80  }
0x23: {  	[tilespmem:s17], [sflag:$0x1] =	stream.indirect.gather [hbm4b:s26+s14], $0x80, s2, s14, $0xb8;
	[tilespmem:$0x10200] =	vst v63  }
0x24: {  	s1 =	rddreg [dreg:$0x3]  }
0x25: {  	[tilespmem:s18], [sflag:$0x2] =	stream.indirect.gather [hbm4b:s1+s14], $0x80, s14, s14, $0xb8;
	[tilespmem:$0x10200] =	vst v63  }
0x26: {  	s8 =	rddreg [dreg:$0x4]  }
0x27: {  	[tilespmem:s19], [sflag:$0x3] =	stream.indirect.gather [hbm4b:s8+s14], $0x80, s15, s14, $0xb8;
	[tilespmem:$0x10200] =	vst v63  }
0x28: {  	_ = 	snop  }
0x29: {  	[tilespmem:s20], [sflag:$0x4] =	stream.indirect.gather [hbm4b:s3+s14], $0x80, s16, s14, $0xb8;
	[tilespmem:$0x10200] =	vst v63  }
0x2a: {  	_ =	swait.ge [sflag:s21], $0x4000  }
0x2b: {  	[sflag:s21] =	ssyncset.done $0x0  }
0x2c: {  	[sflag:s21] =	ssyncadd.s32 $0xFFFFC000  }
0x2d: {  	_ =	swait.ge [sflag:s22], $0x4000  }
0x2e: {  	[sflag:s22] =	ssyncset.done $0x0  }
0x2f: {  	[sflag:s22] =	ssyncadd.s32 $0xFFFFC000  }
0x30: {  	_ =	swait.ge [sflag:s23], $0x4000  }
0x31: {  	[sflag:s23] =	ssyncset.done $0x0  }
0x32: {  	[sflag:s23] =	ssyncadd.s32 $0xFFFFC000  }
0x33: {  	_ =	swait.ge [sflag:s24], $0x4000  }
0x34: {  	[sflag:s24] =	ssyncset.done $0x0  }
0x35: {  	s9 =	rddreg [dreg:$0x6];
	[sflag:s24] =	ssyncadd.s32 $0xFFFFC000  }
0x36: {  	[hbm4b:s9+s2] =	stream.linear.scatter [tilespmem:s17], [sflag:$0x5], $0x4000, $0x38;
	[tilespmem:$0x10200] =	vst v63  }
0x37: {  	_ =	swait.ge [sflag:s13], $0x4000  }
0x38: {  	[sflag:s13] =	ssyncset.done $0x0  }
0x39: {  	[sflag:s13] =	ssyncadd.s32 $0xFFFFC000  }
0x3a: {  	[hbm4b:s10+s2] =	stream.linear.scatter [tilespmem:s18], [sflag:$0x5], $0x4000, $0x38;
	[tilespmem:$0x10200] =	vst v63  }
0x3b: {  	_ =	swait.ge [sflag:s13], $0x4000  }
0x3c: {  	[sflag:s13] =	ssyncset.done $0x0  }
0x3d: {  	[sflag:s13] =	ssyncadd.s32 $0xFFFFC000  }
0x3e: {  	[hbm4b:s11+s2] =	stream.linear.scatter [tilespmem:s19], [sflag:$0x5], $0x4000, $0x38;
	[tilespmem:$0x10200] =	vst v63  }
0x3f: {  	_ =	swait.ge [sflag:s13], $0x4000  }
0x40: {  	[sflag:s13] =	ssyncset.done $0x0  }
0x41: {  	s31 =	simm.s32 $0x200;
	s28 =	sadd.s32 $0x10000, s11;
	[sflag:s13] =	ssyncadd.s32 $0xFFFFC000  }
0x42: {  	[hbm4b:s12+s2] =	stream.linear.scatter [tilespmem:s20], [sflag:$0x5], $0x4000, $0x38;
	[tilespmem:$0x10200] =	vst v63  }
0x43: {  	s29 =	sadd.s32 $0x10000, s10;
	s0 =	simm.s32 $0x400;
	_ =	swait.ge [sflag:s13], $0x4000  }
0x44: {  	s26 =	sadd.s32 $0x10000, s12;
	s30 =	sadd.s32 $0x10000, s9;
	[sflag:s13] =	ssyncset.done $0x0  }
.LBB2_2:
0x45: {  	s8 =	sadd.s32 s31, s7;
	[sflag:s13] =	ssyncadd.s32 $0xFFFFC000  }
0x46: {  	[tilespmem:s2], [sflag:$0x5] =	stream.linear.gather [hbm4b:s8+s2], $0x80, $0x38;
	[tilespmem:$0x10200] =	vst v63  }
0x47: {  	_ =	swait.ge [sflag:s13], $0x80  }
0x48: {  	[sflag:s13] =	ssyncset.done $0x0  }
0x49: {  	s8 =	sadd.s32 s31, s6;
	[sflag:s13] =	ssyncadd.s32 $0xFFFFFF80  }
0x4a: {  	[tilespmem:s14], [sflag:$0x5] =	stream.linear.gather [hbm4b:s8+s2], $0x80, $0x38;
	[tilespmem:$0x10200] =	vst v63  }
0x4b: {  	_ =	swait.ge [sflag:s13], $0x80  }
0x4c: {  	[sflag:s13] =	ssyncset.done $0x0  }
0x4d: {  	s8 =	sadd.s32 s31, s5;
	[sflag:s13] =	ssyncadd.s32 $0xFFFFFF80  }
0x4e: {  	[tilespmem:s15], [sflag:$0x5] =	stream.linear.gather [hbm4b:s8+s2], $0x80, $0x38;
	[tilespmem:$0x10200] =	vst v63  }
0x4f: {  	_ =	swait.ge [sflag:s13], $0x80  }
0x50: {  	[sflag:s13] =	ssyncset.done $0x0  }
0x51: {  	s8 =	sadd.s32 s31, s4;
	[sflag:s13] =	ssyncadd.s32 $0xFFFFFF80  }
0x52: {  	[tilespmem:s16], [sflag:$0x5] =	stream.linear.gather [hbm4b:s8+s2], $0x80, $0x38;
	[tilespmem:$0x10200] =	vst v63  }
0x53: {  	_ =	swait.ge [sflag:s13], $0x80  }
0x54: {  	s9 =	smov.u32 s0;
	[sflag:s13] =	ssyncset.done $0x0  }
0x55: {  	s31 =	smov.u32 s9;
	s9 =	rddreg [dreg:$0x2];
	[sflag:s13] =	ssyncadd.s32 $0xFFFFFF80  }
0x56: {  	[tilespmem:s17], [sflag:$0x1] =	stream.indirect.gather [hbm4b:s9+s14], $0x80, s2, s14, $0xb8;
	[tilespmem:$0x10200] =	vst v63  }
0x57: {  	s8 =	rddreg [dreg:$0x3]  }
0x58: {  	[tilespmem:s18], [sflag:$0x2] =	stream.indirect.gather [hbm4b:s8+s14], $0x80, s14, s14, $0xb8;
	[tilespmem:$0x10200] =	vst v63  }
0x59: {  	s9 =	rddreg [dreg:$0x4]  }
0x5a: {  	[tilespmem:s19], [sflag:$0x3] =	stream.indirect.gather [hbm4b:s9+s14], $0x80, s15, s14, $0xb8;
	[tilespmem:$0x10200] =	vst v63  }
0x5b: {  	_ = 	snop  }
0x5c: {  	[tilespmem:s20], [sflag:$0x4] =	stream.indirect.gather [hbm4b:s3+s14], $0x80, s16, s14, $0xb8;
	[tilespmem:$0x10200] =	vst v63  }
0x5d: {  	_ =	swait.ge [sflag:s21], $0x4000  }
0x5e: {  	[sflag:s21] =	ssyncset.done $0x0  }
0x5f: {  	[sflag:s21] =	ssyncadd.s32 $0xFFFFC000  }
0x60: {  	_ =	swait.ge [sflag:s22], $0x4000  }
0x61: {  	[sflag:s22] =	ssyncset.done $0x0  }
0x62: {  	[sflag:s22] =	ssyncadd.s32 $0xFFFFC000  }
0x63: {  	_ =	swait.ge [sflag:s23], $0x4000  }
0x64: {  	[sflag:s23] =	ssyncset.done $0x0  }
0x65: {  	[sflag:s23] =	ssyncadd.s32 $0xFFFFC000  }
0x66: {  	_ =	swait.ge [sflag:s24], $0x4000  }
0x67: {  	[sflag:s24] =	ssyncset.done $0x0  }
0x68: {  	[sflag:s24] =	ssyncadd.s32 $0xFFFFC000  }
0x69: {  	[hbm4b:s30+s2] =	stream.linear.scatter [tilespmem:s17], [sflag:$0x5], $0x4000, $0x38;
	[tilespmem:$0x10200] =	vst v63  }
0x6a: {  	_ =	swait.ge [sflag:s13], $0x4000  }
0x6b: {  	[sflag:s13] =	ssyncset.done $0x0  }
0x6c: {  	[sflag:s13] =	ssyncadd.s32 $0xFFFFC000  }
0x6d: {  	[hbm4b:s29+s2] =	stream.linear.scatter [tilespmem:s18], [sflag:$0x5], $0x4000, $0x38;
	[tilespmem:$0x10200] =	vst v63  }
0x6e: {  	_ =	swait.ge [sflag:s13], $0x4000  }
0x6f: {  	[sflag:s13] =	ssyncset.done $0x0  }
0x70: {  	[sflag:s13] =	ssyncadd.s32 $0xFFFFC000  }
0x71: {  	[hbm4b:s28+s2] =	stream.linear.scatter [tilespmem:s19], [sflag:$0x5], $0x4000, $0x38;
	[tilespmem:$0x10200] =	vst v63  }
0x72: {  	p0 =	sne.s32 s0, $0x9C00;
	_ =	swait.ge [sflag:s13], $0x4000  }
.Ltmp0:
0x73: {  	s1 =	sadd.s32 $0x200, s0;
	[sflag:s13] =	ssyncset.done $0x0;
	(pc) =	sbr.rel @p0 .LBB2_2-.Ltmp0, $4  }
0x74: {  	s0 =	smov.u32 s1;
	[sflag:s13] =	ssyncadd.s32 $0xFFFFC000  }
0x75: {  	[hbm4b:s26+s2] =	stream.linear.scatter [tilespmem:s20], [sflag:$0x5], $0x4000, $0x38;
	[tilespmem:$0x10200] =	vst v63  }
0x76: {  	s30 =	sadd.s32 $0x10000, s30;
	s29 =	sadd.s32 $0x10000, s29;
	_ =	swait.ge [sflag:s13], $0x4000  }
0x77: {  	s28 =	sadd.s32 $0x10000, s28;
	s26 =	sadd.s32 $0x10000, s26;
	[sflag:s13] =	ssyncset.done $0x0  }
0x78: {  	s0 =	sadd.s32 s31, s7;
	[sflag:s13] =	ssyncadd.s32 $0xFFFFC000  }
0x79: {  	[tilespmem:s2], [sflag:$0x5] =	stream.linear.gather [hbm4b:s0+s2], $0x80, $0x38;
	[tilespmem:$0x10200] =	vst v63  }
0x7a: {  	_ =	swait.ge [sflag:s13], $0x80  }
0x7b: {  	[sflag:s13] =	ssyncset.done $0x0  }
0x7c: {  	s8 =	sadd.s32 s31, s6;
	[sflag:s13] =	ssyncadd.s32 $0xFFFFFF80  }
0x7d: {  	[tilespmem:s14], [sflag:$0x5] =	stream.linear.gather [hbm4b:s8+s2], $0x80, $0x38;
	[tilespmem:$0x10200] =	vst v63  }
0x7e: {  	_ =	swait.ge [sflag:s13], $0x80  }
0x7f: {  	[sflag:s13] =	ssyncset.done $0x0  }
0x80: {  	s9 =	sadd.s32 s31, s5;
	[sflag:s13] =	ssyncadd.s32 $0xFFFFFF80  }
0x81: {  	[tilespmem:s15], [sflag:$0x5] =	stream.linear.gather [hbm4b:s9+s2], $0x80, $0x38;
	[tilespmem:$0x10200] =	vst v63  }
0x82: {  	_ =	swait.ge [sflag:s13], $0x80  }
0x83: {  	[sflag:s13] =	ssyncset.done $0x0  }
0x84: {  	s1 =	sadd.s32 s31, s4;
	[sflag:s13] =	ssyncadd.s32 $0xFFFFFF80  }
0x85: {  	[tilespmem:s16], [sflag:$0x5] =	stream.linear.gather [hbm4b:s1+s2], $0x80, $0x38;
	[tilespmem:$0x10200] =	vst v63  }
0x86: {  	_ =	swait.ge [sflag:s13], $0x80  }
0x87: {  	[sflag:s13] =	ssyncset.done $0x0  }
0x88: {  	s8 =	rddreg [dreg:$0x2];
	[sflag:s13] =	ssyncadd.s32 $0xFFFFFF80  }
0x89: {  	[tilespmem:s17], [sflag:$0x1] =	stream.indirect.gather [hbm4b:s8+s14], $0x80, s2, s14, $0xb8;
	[tilespmem:$0x10200] =	vst v63  }
0x8a: {  	s1 =	rddreg [dreg:$0x3]  }
0x8b: {  	[tilespmem:s18], [sflag:$0x2] =	stream.indirect.gather [hbm4b:s1+s14], $0x80, s14, s14, $0xb8;
	[tilespmem:$0x10200] =	vst v63  }
0x8c: {  	s9 =	rddreg [dreg:$0x4]  }
0x8d: {  	[tilespmem:s19], [sflag:$0x3] =	stream.indirect.gather [hbm4b:s9+s14], $0x80, s15, s14, $0xb8;
	[tilespmem:$0x10200] =	vst v63  }
0x8e: {  	_ = 	snop  }
0x8f: {  	[tilespmem:s20], [sflag:$0x4] =	stream.indirect.gather [hbm4b:s3+s14], $0x80, s16, s14, $0xb8;
	[tilespmem:$0x10200] =	vst v63  }
0x90: {  	_ =	swait.ge [sflag:s21], $0x4000  }
0x91: {  	[sflag:s21] =	ssyncset.done $0x0  }
0x92: {  	[sflag:s21] =	ssyncadd.s32 $0xFFFFC000  }
0x93: {  	_ =	swait.ge [sflag:s22], $0x4000  }
0x94: {  	[sflag:s22] =	ssyncset.done $0x0  }
0x95: {  	[sflag:s22] =	ssyncadd.s32 $0xFFFFC000  }
0x96: {  	_ =	swait.ge [sflag:s23], $0x4000  }
0x97: {  	[sflag:s23] =	ssyncset.done $0x0  }
0x98: {  	[sflag:s23] =	ssyncadd.s32 $0xFFFFC000  }
0x99: {  	_ =	swait.ge [sflag:s24], $0x4000  }
0x9a: {  	[sflag:s24] =	ssyncset.done $0x0  }
0x9b: {  	[sflag:s24] =	ssyncadd.s32 $0xFFFFC000  }
0x9c: {  	[hbm4b:s30+s2] =	stream.linear.scatter [tilespmem:s17], [sflag:$0x5], $0x4000, $0x38;
	[tilespmem:$0x10200] =	vst v63  }
0x9d: {  	_ =	swait.ge [sflag:s13], $0x4000  }
0x9e: {  	[sflag:s13] =	ssyncset.done $0x0  }
0x9f: {  	[sflag:s13] =	ssyncadd.s32 $0xFFFFC000  }
0xa0: {  	[hbm4b:s29+s2] =	stream.linear.scatter [tilespmem:s18], [sflag:$0x5], $0x4000, $0x38;
	[tilespmem:$0x10200] =	vst v63  }
0xa1: {  	_ =	swait.ge [sflag:s13], $0x4000  }
0xa2: {  	[sflag:s13] =	ssyncset.done $0x0  }
0xa3: {  	[sflag:s13] =	ssyncadd.s32 $0xFFFFC000  }
0xa4: {  	[hbm4b:s28+s2] =	stream.linear.scatter [tilespmem:s19], [sflag:$0x5], $0x4000, $0x38;
	[tilespmem:$0x10200] =	vst v63  }
0xa5: {  	_ =	swait.ge [sflag:s13], $0x4000  }
0xa6: {  	[sflag:s13] =	ssyncset.done $0x0  }
0xa7: {  	[sflag:s13] =	ssyncadd.s32 $0xFFFFC000  }
0xa8: {  	[hbm4b:s26+s2] =	stream.linear.scatter [tilespmem:s20], [sflag:$0x5], $0x4000, $0x38;
	[tilespmem:$0x10200] =	vst v63  }
0xa9: {  	_ =	swait.ge [sflag:s13], $0x4000  }
0xaa: {  	s25 =	sadd.s32 $0x1, s25;
	s31 =	rddreg [dreg:$0x5]  }
0xab: {  	p0 =	sne.s32 s25, s31  }
.Ltmp1:
0xac: {  	_ = 	snop;
	(pc) =	sbr.rel @p0 .LBB2_1-.Ltmp1, $3  }
0xad: {  	_ =	sdelay $0x1  }
0xae: {  	[sflag:s13] =	ssyncset.done $0x0  }
0xaf: {  	[sflag:s13] =	ssyncadd.s32 $0xFFFFC000  }
0xb0: {  	_ =	sfence.sel $0x180000  }
0xb1: {  	[bflag:$0x0] =	sbarrier.arrive $0xFFFF  }
0xb2: {  	_ =	strace $0x90000047  }
0xb3: {  	s0 =	stileid.u32;
	[bflag:$0x2] =	sbarrier.arrive $0xFFFF  }
0xb4: {  	p0 =	sne.s32 s0, $0x0;
	s0 =	rddreg [dreg:$0x1]  }
0xb5: {  	s0 =	sadd.s32 @!p0 $0x100000, s0  }
0xb6: {  	[sflag:s0] =	ssyncadd.tile.s32 @!p0 $0x1;
	_ =	shalt  }
.Lfunc_end2:
_tile_overlayer_lowered:
.L_overlay_start_2:
0xb7: {  	(tag) =	ssettag $0x2  }
0xb8: {  	s0 =	rddreg [dreg:$0x0];
	s2 =	stileid.u32  }
0xb9: {  	s1 =	rddreg [dreg:$0x1];
	p0 =	sne.s32 s2, $0x0  }
0xba: {  	s3 =	rddreg [dreg:$0x2];
	[bflag:$0x3] =	sbarrier.arrive $0xFFFF;
	s2 =	simm.s32 @!p0 $0x1C05  }
0xbb: {  	[timem:s3], [sflag:s2] =	dma.local @!p0 [hbm:s0], s1  }
0xbc: {  	s0 =	simm.s32 @!p0 $0x5  }
0xbd: {  	_ =	swait.ge @!p0 [sflag:s0], s1  }
0xbe: {  	s1 =	ssub.s32 @!p0 $0x0, s1;
	[sflag:s0] =	ssyncset.done @!p0 $0x0  }
0xbf: {  	[sflag:s0] =	ssyncadd.s32 @!p0 s1  }
0xc0: {  	[bflag:$0x3] =	sbarrier.arrive $0xFFFF  }
0xc1: {  	_ =	shalt  }

</sc_bundles>
